<compile_context>
chip_gen: v7x
topology: tpu7x:2x2x1
jax: 0.10.2.dev20260603
libtpu: 0.0.44.dev20260713+nightly
codegen_flags: <defaults>
</compile_context>

<pallas_src>
import jax
import jax.numpy as jnp
from jax import lax
from jax.experimental import pallas as pl
from jax.experimental.pallas import tpu as pltpu
from jax.experimental.pallas import tpu_sc as plsc

N = 10000
E = 320000
F = 128
FH = F // 2
NC = 2
NS = 16
L = 16
NPAD = 10240
C = 80
CHUNKS = E // C
CPB = CHUNKS // (NC * NS)
SROWS = NPAD // NS
ZROWS = 32

_RSQRT_MAGIC = 0x5F3759DF


def _newton_rsqrt16(d):
    i = lax.bitcast_convert_type(d, jnp.int32)
    y = lax.bitcast_convert_type(_RSQRT_MAGIC - lax.shift_right_logical(i, 1),
                                 jnp.float32)
    half_d = 0.5 * d
    for _ in range(3):
        y = y * (1.5 - half_d * y * y)
    return jnp.where(d > 0.0, y, 0.0)


def _sc_aggregate(xh_hbm, row_h, col_h, w_h, s_out, deg_out,
                  zbuf, zdeg, rowc, colc, wc, dinv_v, rows_buf,
                  s_sh, deg_sh, sem):
    cid = lax.axis_index("c")
    sid = lax.axis_index("s")

    def zero16(i, _):
        zbuf[lax.div(i, FH // L), pl.ds(lax.rem(i, FH // L) * L, L)] = (
            jnp.zeros((L,), jnp.float32))
        return 0
    lax.fori_loop(0, ZROWS * (FH // L), zero16, 0)

    def zdeg16(i, _):
        zdeg[pl.ds(i * L, L)] = jnp.zeros((L,), jnp.float32)
        return 0
    lax.fori_loop(0, SROWS // L, zdeg16, 0)

    pltpu.sync_copy(zdeg, deg_sh.at[pl.ds(sid * SROWS, SROWS)])
    for m in range(SROWS // ZROWS):
        pltpu.sync_copy(zbuf, s_sh.at[pl.ds(sid * SROWS + m * ZROWS, ZROWS), :])
    plsc.subcore_barrier()

    def deg_half(h, _):
        blk = sid * 2 + h
        pltpu.sync_copy(row_h.at[blk], rowc)
        pltpu.sync_copy(col_h.at[blk], colc)
        pltpu.sync_copy(w_h.at[blk], wc)

        def wprime(i, _):
            j = lax.div(i, C // L)
            k = lax.rem(i, C // L) * L
            r16 = rowc[j, pl.ds(k, L)]
            c16 = colc[j, pl.ds(k, L)]
            w16 = wc[j, pl.ds(k, L)]
            wc[j, pl.ds(k, L)] = jnp.where(r16 == c16, 0.0, w16)
            return 0
        lax.fori_loop(0, CPB * (C // L), wprime, 0)

        def scat(j, _):
            pltpu.sync_copy(wc.at[j], deg_sh.at[rowc.at[j]], add=True)
            return 0
        lax.fori_loop(0, CPB, scat, 0)
        return 0
    lax.fori_loop(0, 2, deg_half, 0)
    plsc.subcore_barrier()

    pltpu.sync_copy(deg_sh, dinv_v)

    @pl.when(cid == 0)
    def _():
        pltpu.sync_copy(deg_sh.at[pl.ds(sid * SROWS, SROWS)],
                        deg_out.at[pl.ds(sid * SROWS, SROWS)])

    def newton(i, _):
        d = dinv_v[pl.ds(i * L, L)]
        dinv_v[pl.ds(i * L, L)] = _newton_rsqrt16(d)
        return 0
    lax.fori_loop(0, NPAD // L, newton, 0)

    def agg_half(h, _):
        blk = sid * 2 + h
        pltpu.sync_copy(row_h.at[blk], rowc)
        pltpu.sync_copy(col_h.at[blk], colc)
        pltpu.sync_copy(w_h.at[blk], wc)

        def ucalc(i, _):
            j = lax.div(i, C // L)
            k = lax.rem(i, C // L) * L
            r16 = rowc[j, pl.ds(k, L)]
            c16 = colc[j, pl.ds(k, L)]
            w16 = wc[j, pl.ds(k, L)]
            dv16 = plsc.load_gather(dinv_v, [r16])
            wc[j, pl.ds(k, L)] = jnp.where(r16 == c16, 0.0, w16) * dv16
            return 0
        lax.fori_loop(0, CPB * (C // L), ucalc, 0)

        def chunk(j, _):
            pltpu.async_copy(xh_hbm.at[cid].at[rowc.at[j]], rows_buf, sem).wait()

            def scale_edge(e, _):
                sel = jnp.zeros((L,), jnp.int32)
                u16 = plsc.load_gather(wc, [sel + j, sel + e])
                for q in range(FH // L):
                    rows_buf[e, pl.ds(q * L, L)] = (
                        rows_buf[e, pl.ds(q * L, L)] * u16)
                return 0
            lax.fori_loop(0, C, scale_edge, 0)

            pltpu.sync_copy(rows_buf, s_sh.at[colc.at[j]], add=True)
            return 0
        lax.fori_loop(0, CPB, chunk, 0)
        return 0
    lax.fori_loop(0, 2, agg_half, 0)
    plsc.subcore_barrier()

    pltpu.sync_copy(s_sh.at[pl.ds(sid * SROWS, SROWS), :],
                    s_out.at[cid, pl.ds(sid * SROWS, SROWS), :])


def _run_sc(xh, row_h, col_h, w_h):
    mesh = plsc.VectorSubcoreMesh(core_axis_name="c", subcore_axis_name="s")
    return pl.kernel(
        _sc_aggregate,
        out_type=(
            jax.ShapeDtypeStruct((NC, NPAD, FH), jnp.float32),
            jax.ShapeDtypeStruct((NPAD,), jnp.float32),
        ),
        mesh=mesh,
        compiler_params=pltpu.CompilerParams(needs_layout_passes=False,
                                             use_tc_tiling_on_sc=False),
        scratch_types=[
            pltpu.VMEM((ZROWS, FH), jnp.float32),
            pltpu.VMEM((SROWS,), jnp.float32),
            pltpu.VMEM((CPB, C), jnp.int32),
            pltpu.VMEM((CPB, C), jnp.int32),
            pltpu.VMEM((CPB, C), jnp.float32),
            pltpu.VMEM((NPAD,), jnp.float32),
            pltpu.VMEM((C, FH), jnp.float32),
            pltpu.VMEM_SHARED((NPAD, FH), jnp.float32),
            pltpu.VMEM_SHARED((NPAD,), jnp.float32),
            pltpu.SemaphoreType.DMA,
        ],
    )(xh, row_h, col_h, w_h)


def _tc_dense(x_ref, sa_ref, sb_ref, deg_ref, wx_ref, wta_ref, wtb_ref,
              bias_ref, lin_ref, lb_ref, out_ref):
    deg = deg_ref[...]
    dinv = jnp.where(deg > 0.0, lax.rsqrt(deg), 0.0)
    ab = (jnp.dot(x_ref[...], wx_ref[...], preferred_element_type=jnp.float32)
          + jnp.dot(sa_ref[...] * (-dinv), wta_ref[...],
                    preferred_element_type=jnp.float32)
          + jnp.dot(sb_ref[...] * (-dinv), wtb_ref[...],
                    preferred_element_type=jnp.float32)
          + bias_ref[...])
    z = jax.nn.sigmoid(ab[:, :F])
    t = jnp.tanh(ab[:, F:])
    h = jnp.maximum((1.0 - z) * t, 0.0)
    out_ref[...] = (jnp.dot(h, lin_ref[...], preferred_element_type=jnp.float32)
                    + lb_ref[...])


def _run_tc(x, sa, sb, deg, wx, wta, wtb, bias, lin_w, lin_b):
    blk = 1000
    grid = (N // blk,)
    return pl.pallas_call(
        _tc_dense,
        grid=grid,
        in_specs=[
            pl.BlockSpec((blk, F), lambda i: (i, 0)),
            pl.BlockSpec((blk, FH), lambda i: (i, 0)),
            pl.BlockSpec((blk, FH), lambda i: (i, 0)),
            pl.BlockSpec((blk, 1), lambda i: (i, 0)),
            pl.BlockSpec((F, 2 * F), lambda i: (0, 0)),
            pl.BlockSpec((FH, 2 * F), lambda i: (0, 0)),
            pl.BlockSpec((FH, 2 * F), lambda i: (0, 0)),
            pl.BlockSpec((1, 2 * F), lambda i: (0, 0)),
            pl.BlockSpec((F, F), lambda i: (0, 0)),
            pl.BlockSpec((1, F), lambda i: (0, 0)),
        ],
        out_specs=pl.BlockSpec((blk, F), lambda i: (i, 0)),
        out_shape=jax.ShapeDtypeStruct((N, F), jnp.float32),
    )(x, sa, sb, deg, wx, wta, wtb, bias, lin_w, lin_b)


@jax.jit
def kernel(x, edge_index, edge_weight, W_xz_0, W_xz_1, b_xz, W_hz_0, W_hz_1,
           b_hz, W_xr_0, W_xr_1, b_xr, W_hr_0, W_hr_1, b_hr, W_xh_0, W_xh_1,
           b_xh, W_hh_0, W_hh_1, b_hh, lin_W, lin_b):
    row_h = edge_index[0].reshape(NC * NS, CPB, C)
    col_h = edge_index[1].reshape(NC * NS, CPB, C)
    w_h = edge_weight.reshape(NC * NS, CPB, C)
    xh = x.reshape(N, NC, FH).transpose(1, 0, 2)

    s_half, deg = _run_sc(xh, row_h, col_h, w_h)

    wx = jnp.concatenate([W_xz_0, W_xh_0], axis=1)
    wt = jnp.concatenate([W_xz_1, W_xh_1], axis=1)
    bias = jnp.concatenate([b_xz + b_hz, b_xh + b_hh])[None, :]
    out = _run_tc(x, s_half[0, :N], s_half[1, :N], deg[:N].reshape(N, 1),
                  wx, wt[:FH], wt[FH:], bias, lin_W, lin_b[None, :])
    return out

# --- scband reference (transcript-rebuilt; emitter-appended) ---
"""Pipeline reference for scband-model-1460288881249 (READ-ONLY COPY).

The authoritative reference and input builder live on the scoring server;
editing this copy changes nothing except your own understanding.
"""

import jax, jax.numpy as jnp
import numpy as np

N = 10000
E = 320000
F_IN = 128
F_H = 128

PARAM_NAMES = ["W_xz_0", "W_xz_1", "b_xz", "W_hz_0", "W_hz_1", "b_hz",
               "W_xr_0", "W_xr_1", "b_xr", "W_hr_0", "W_hr_1", "b_hr",
               "W_xh_0", "W_xh_1", "b_xh", "W_hh_0", "W_hh_1", "b_hh",
               "lin_W", "lin_b"]

def _u(key, shape, scale):
    return jax.random.uniform(key, shape, jnp.float32, -scale, scale)

def setup_inputs(seed: int = 0):
    key = jax.random.key(seed)
    ks = jax.random.split(key, 32)
    inp = {}
    inp["x"] = jax.random.normal(ks[0], (N, F_IN), jnp.float32)
    inp["edge_index"] = jax.random.randint(ks[1], (2, E), 0, N, jnp.int32)
    inp["edge_weight"] = jax.random.uniform(ks[2], (E,), jnp.float32)
    i = 3
    for g in ["z", "r", "h"]:
        for src, fin in [("x", F_IN), ("h", F_H)]:
            s = 1.0 / float(np.sqrt(fin))
            inp["W_" + src + g + "_0"] = _u(ks[i], (fin, F_H), s); i += 1
            inp["W_" + src + g + "_1"] = _u(ks[i], (fin, F_H), s); i += 1
            inp["b_" + src + g] = jnp.zeros((F_H,), jnp.float32)
    s = 1.0 / float(np.sqrt(F_H))
    inp["lin_W"] = _u(ks[i], (F_H, F_IN), s); i += 1
    inp["lin_b"] = _u(ks[i], (F_IN,), s)
    return inp

def _lhat_weights(edge_index, edge_weight, n):
    # ChebConv __norm__: remove self loops, sym-normalized Laplacian,
    # scale by 2/lambda_max (lambda_max=2.0), add -I self loops.
    # Net result: L_hat = -D^{-1/2} A D^{-1/2}, diagonal cancels to 0.
    row, col = edge_index[0], edge_index[1]
    w = jnp.where(row == col, jnp.zeros_like(edge_weight), edge_weight)
    deg = jnp.zeros((n,), edge_weight.dtype).at[row].add(w)
    dinv = jax.lax.rsqrt(deg)
    dinv = jnp.where(jnp.isinf(dinv), jnp.zeros_like(dinv), dinv)
    return -(dinv[row] * w * dinv[col])

def _cheb(X, row, col, lw, W0, W1, b):
    # K=2 Chebyshev: Tx0 = X, Tx1 = L_hat @ X (message from source row, aggregated at target col)
    Tx1 = jnp.zeros_like(X).at[col].add(lw[:, None] * X[row])
    return X @ W0 + Tx1 @ W1 + b

def _forward(x, edge_index, edge_weight,
             W_xz_0, W_xz_1, b_xz, W_hz_0, W_hz_1, b_hz,
             W_xr_0, W_xr_1, b_xr, W_hr_0, W_hr_1, b_hr,
             W_xh_0, W_xh_1, b_xh, W_hh_0, W_hh_1, b_hh,
             lin_W, lin_b):
    n = x.shape[0]
    row, col = edge_index[0], edge_index[1]
    lw = _lhat_weights(edge_index, edge_weight, n)
    H = jnp.zeros((n, W_xz_0.shape[1]), x.dtype)
    Z = jax.nn.sigmoid(_cheb(x, row, col, lw, W_xz_0, W_xz_1, b_xz)
                       + _cheb(H, row, col, lw, W_hz_0, W_hz_1, b_hz))
    R = jax.nn.sigmoid(_cheb(x, row, col, lw, W_xr_0, W_xr_1, b_xr)
                       + _cheb(H, row, col, lw, W_hr_0, W_hr_1, b_hr))
    H_tilde = jnp.tanh(_cheb(x, row, col, lw, W_xh_0, W_xh_1, b_xh)
                       + _cheb(H * R, row, col, lw, W_hh_0, W_hh_1, b_hh))
    H = Z * H + (1.0 - Z) * H_tilde
    h = jax.nn.relu(H)
    return h @ lin_W + lin_b

def reference(x, edge_index, edge_weight,
              W_xz_0, W_xz_1, b_xz, W_hz_0, W_hz_1, b_hz,
              W_xr_0, W_xr_1, b_xr, W_hr_0, W_hr_1, b_hr,
              W_xh_0, W_xh_1, b_xh, W_hh_0, W_hh_1, b_hh,
              lin_W, lin_b):
    return _forward(x, edge_index, edge_weight,
                    W_xz_0, W_xz_1, b_xz, W_hz_0, W_hz_1, b_hz,
                    W_xr_0, W_xr_1, b_xr, W_hr_0, W_hr_1, b_hr,
                    W_xh_0, W_xh_1, b_xh, W_hh_0, W_hh_1, b_hh,
                    lin_W, lin_b)

if __name__ == "__main__":
    import jax
    _d = setup_inputs()
    print(jax.jit(kernel)(*tuple(_d.values())))

</pallas_src>

<mosaic_0001>
#map = affine_map<(d0, d1) -> (0, 0, 0)>
#map1 = affine_map<(d0, d1) -> (0)>
module attributes {stable_mosaic.version = 14 : i64} {
  func.func @_sc_aggregate(%arg0: i32, %arg1: i32, %arg2: memref<2x10000x64xf32, #tpu.memory_space<hbm>>, %arg3: memref<32x125x80xi32, #tpu.memory_space<hbm>>, %arg4: memref<32x125x80xi32, #tpu.memory_space<hbm>>, %arg5: memref<32x125x80xf32, #tpu.memory_space<hbm>>, %arg6: memref<2x10240x64xf32, #tpu.memory_space<hbm>>, %arg7: memref<10240xf32, #tpu.memory_space<hbm>>, %arg8: memref<32x64xf32, #tpu.memory_space<vmem>>, %arg9: memref<640xf32, #tpu.memory_space<vmem>>, %arg10: memref<125x80xi32, #tpu.memory_space<vmem>>, %arg11: memref<125x80xi32, #tpu.memory_space<vmem>>, %arg12: memref<125x80xf32, #tpu.memory_space<vmem>>, %arg13: memref<10240xf32, #tpu.memory_space<vmem>>, %arg14: memref<80x64xf32, #tpu.memory_space<vmem>>, %arg15: memref<10240x64xf32, #tpu.memory_space<vmem_shared>>, %arg16: memref<10240xf32, #tpu.memory_space<vmem_shared>>, %arg17: memref<!tpu.dma_semaphore, #tpu.memory_space<semaphore_mem>>) attributes {dimension_semantics = [#tpu.dimension_semantics<core_parallel>, #tpu.dimension_semantics<subcore_parallel>], iteration_bounds = array<i64: 2, 16>, scalar_prefetch = 0 : i64, scratch_operands = 10 : i64, tpu.core_type = #tpu.core_type<sc_vector_subcore>, window_params = [{transform_indices = #map}, {transform_indices = #map}, {transform_indices = #map}, {transform_indices = #map}, {transform_indices = #map}, {transform_indices = #map1}]} {
    %scan3A = arith.constant 0 : i32
    %scan3A_0 = arith.constant 0 : i32
    %scan3A_1 = arith.constant 128 : i32
    %scan3A_2 = arith.addi %scan3A_0, %scan3A_1 : i32
    %scan3A_3 = arith.constant 1 : i32
    %scan3A_4 = scf.for %scan3A_122 = %scan3A_0 to %scan3A_2 step %scan3A_3 iter_args(%scan3A_123 = %scan3A) -> (i32)  : i32 {
      %broadcast_in_dim3A = arith.constant 0.000000e+00 : f32
      %broadcast_in_dim3A_124 = vector.broadcast %broadcast_in_dim3A : f32 to vector<16xf32>
      %div3A = arith.constant 4 : i32
      %div3A_125 = arith.divsi %scan3A_122, %div3A : i32
      %rem3A = arith.constant 4 : i32
      %rem3A_126 = arith.remsi %scan3A_122, %rem3A : i32
      %mul3A_127 = arith.constant 16 : i32
      %mul3A_128 = arith.muli %rem3A_126, %mul3A_127 : i32
      %swap3A = arith.index_cast %div3A_125 : i32 to index
      %swap3A_129 = arith.index_cast %mul3A_128 : i32 to index
      %swap3A_130 = tpu.vector_load %arg8[%swap3A, %swap3A_129] {strides = array<i32>} : memref<32x64xf32, #tpu.memory_space<vmem>>, vector<16xf32>,
      tpu.vector_store %arg8[%swap3A, %swap3A_129], %broadcast_in_dim3A_124 {strides = array<i32>} : memref<32x64xf32, #tpu.memory_space<vmem>>, vector<16xf32>,
      %scan3A_131 = arith.constant 0 : i32
      scf.yield %scan3A_131 : i32
    }
    %scan3A_5 = arith.constant 128 : i32
    %scan3A_6 = arith.constant 0 : i32
    %scan3A_7 = arith.constant 0 : i32
    %scan3A_8 = arith.constant 40 : i32
    %scan3A_9 = arith.addi %scan3A_7, %scan3A_8 : i32
    %scan3A_10 = arith.constant 1 : i32
    %scan3A_11 = scf.for %scan3A_122 = %scan3A_7 to %scan3A_9 step %scan3A_10 iter_args(%scan3A_123 = %scan3A_6) -> (i32)  : i32 {
      %broadcast_in_dim3A = arith.constant 0.000000e+00 : f32
      %broadcast_in_dim3A_124 = vector.broadcast %broadcast_in_dim3A : f32 to vector<16xf32>
      %mul3A_125 = arith.constant 16 : i32
      %mul3A_126 = arith.muli %scan3A_122, %mul3A_125 : i32
      %swap3A = arith.index_cast %mul3A_126 : i32 to index
      %swap3A_127 = tpu.vector_load %arg9[%swap3A] {strides = array<i32>} : memref<640xf32, #tpu.memory_space<vmem>>, vector<16xf32>,
      tpu.vector_store %arg9[%swap3A], %broadcast_in_dim3A_124 {strides = array<i32>} : memref<640xf32, #tpu.memory_space<vmem>>, vector<16xf32>,
      %scan3A_128 = arith.constant 0 : i32
      scf.yield %scan3A_128 : i32
    }
    %scan3A_12 = arith.constant 40 : i32
    %mul3A = arith.constant 640 : i32
    %mul3A_13 = arith.muli %arg1, %mul3A : i32
    "tpu.region"() ({
      %run_scoped3A = tpu.sem_alloc : memref<!tpu.dma_semaphore, #tpu.memory_space<semaphore_mem>>
      %dma_start3A = tpu.memref_slice %arg16[%mul3A_13] : memref<10240xf32, #tpu.memory_space<vmem_shared>> -> memref<640xf32, #tpu.memory_space<vmem_shared>>
      %dma_start3A_122 = tpu.memref_slice %arg16[%mul3A_13] : memref<10240xf32, #tpu.memory_space<vmem_shared>> -> memref<640xf32, #tpu.memory_space<vmem_shared>>
      tpu.enqueue_dma source(%arg9 : memref<640xf32, #tpu.memory_space<vmem>>) target(%dma_start3A_122 : memref<640xf32, #tpu.memory_space<vmem_shared>>) target_semaphore(%run_scoped3A : memref<!tpu.dma_semaphore, #tpu.memory_space<semaphore_mem>>)
      %dma_wait3A = tpu.memref_slice %arg16[%mul3A_13] : memref<10240xf32, #tpu.memory_space<vmem_shared>> -> memref<640xf32, #tpu.memory_space<vmem_shared>>
      %dma_wait3A_123 = tpu.memref_slice %arg16[%mul3A_13] : memref<10240xf32, #tpu.memory_space<vmem_shared>> -> memref<640xf32, #tpu.memory_space<vmem_shared>>
      tpu.wait_dma2 semaphore(%run_scoped3A : memref<!tpu.dma_semaphore, #tpu.memory_space<semaphore_mem>>) src(%arg9 : memref<640xf32, #tpu.memory_space<vmem>>) dst(%dma_wait3A_123 : memref<640xf32, #tpu.memory_space<vmem_shared>>)
      tpu.yield
    }) : () -> ()
    %mul3A_14 = arith.constant 640 : i32
    %mul3A_15 = arith.muli %arg1, %mul3A_14 : i32
    %add3A = arith.constant 0 : i32
    %add3A_16 = arith.addi %mul3A_15, %add3A : i32
    "tpu.region"() ({
      %run_scoped3A = tpu.sem_alloc : memref<!tpu.dma_semaphore, #tpu.memory_space<semaphore_mem>>
      %dma_start3A = arith.constant 0 : i32
      %dma_start3A_122 = tpu.memref_slice %arg15[%add3A_16, %dma_start3A] : memref<10240x64xf32, #tpu.memory_space<vmem_shared>> -> memref<32x64xf32, #tpu.memory_space<vmem_shared>>
      %dma_start3A_123 = arith.constant 0 : i32
      %dma_start3A_124 = tpu.memref_slice %arg15[%add3A_16, %dma_start3A_123] : memref<10240x64xf32, #tpu.memory_space<vmem_shared>> -> memref<32x64xf32, #tpu.memory_space<vmem_shared>>
      tpu.enqueue_dma source(%arg8 : memref<32x64xf32, #tpu.memory_space<vmem>>) target(%dma_start3A_124 : memref<32x64xf32, #tpu.memory_space<vmem_shared>>) target_semaphore(%run_scoped3A : memref<!tpu.dma_semaphore, #tpu.memory_space<semaphore_mem>>)
      %dma_wait3A = arith.constant 0 : i32
      %dma_wait3A_125 = tpu.memref_slice %arg15[%add3A_16, %dma_wait3A] : memref<10240x64xf32, #tpu.memory_space<vmem_shared>> -> memref<32x64xf32, #tpu.memory_space<vmem_shared>>
      %dma_wait3A_126 = arith.constant 0 : i32
      %dma_wait3A_127 = tpu.memref_slice %arg15[%add3A_16, %dma_wait3A_126] : memref<10240x64xf32, #tpu.memory_space<vmem_shared>> -> memref<32x64xf32, #tpu.memory_space<vmem_shared>>
      tpu.wait_dma2 semaphore(%run_scoped3A : memref<!tpu.dma_semaphore, #tpu.memory_space<semaphore_mem>>) src(%arg8 : memref<32x64xf32, #tpu.memory_space<vmem>>) dst(%dma_wait3A_127 : memref<32x64xf32, #tpu.memory_space<vmem_shared>>)
      tpu.yield
    }) : () -> ()
    %mul3A_17 = arith.constant 640 : i32
    %mul3A_18 = arith.muli %arg1, %mul3A_17 : i32
    %add3A_19 = arith.constant 32 : i32
    %add3A_20 = arith.addi %mul3A_18, %add3A_19 : i32
    "tpu.region"() ({
      %run_scoped3A = tpu.sem_alloc : memref<!tpu.dma_semaphore, #tpu.memory_space<semaphore_mem>>
      %dma_start3A = arith.constant 0 : i32
      %dma_start3A_122 = tpu.memref_slice %arg15[%add3A_20, %dma_start3A] : memref<10240x64xf32, #tpu.memory_space<vmem_shared>> -> memref<32x64xf32, #tpu.memory_space<vmem_shared>>
      %dma_start3A_123 = arith.constant 0 : i32
      %dma_start3A_124 = tpu.memref_slice %arg15[%add3A_20, %dma_start3A_123] : memref<10240x64xf32, #tpu.memory_space<vmem_shared>> -> memref<32x64xf32, #tpu.memory_space<vmem_shared>>
      tpu.enqueue_dma source(%arg8 : memref<32x64xf32, #tpu.memory_space<vmem>>) target(%dma_start3A_124 : memref<32x64xf32, #tpu.memory_space<vmem_shared>>) target_semaphore(%run_scoped3A : memref<!tpu.dma_semaphore, #tpu.memory_space<semaphore_mem>>)
      %dma_wait3A = arith.constant 0 : i32
      %dma_wait3A_125 = tpu.memref_slice %arg15[%add3A_20, %dma_wait3A] : memref<10240x64xf32, #tpu.memory_space<vmem_shared>> -> memref<32x64xf32, #tpu.memory_space<vmem_shared>>
      %dma_wait3A_126 = arith.constant 0 : i32
      %dma_wait3A_127 = tpu.memref_slice %arg15[%add3A_20, %dma_wait3A_126] : memref<10240x64xf32, #tpu.memory_space<vmem_shared>> -> memref<32x64xf32, #tpu.memory_space<vmem_shared>>
      tpu.wait_dma2 semaphore(%run_scoped3A : memref<!tpu.dma_semaphore, #tpu.memory_space<semaphore_mem>>) src(%arg8 : memref<32x64xf32, #tpu.memory_space<vmem>>) dst(%dma_wait3A_127 : memref<32x64xf32, #tpu.memory_space<vmem_shared>>)
      tpu.yield
    }) : () -> ()
    %mul3A_21 = arith.constant 640 : i32
    %mul3A_22 = arith.muli %arg1, %mul3A_21 : i32
    %add3A_23 = arith.constant 64 : i32
    %add3A_24 = arith.addi %mul3A_22, %add3A_23 : i32
    "tpu.region"() ({
      %run_scoped3A = tpu.sem_alloc : memref<!tpu.dma_semaphore, #tpu.memory_space<semaphore_mem>>
      %dma_start3A = arith.constant 0 : i32
      %dma_start3A_122 = tpu.memref_slice %arg15[%add3A_24, %dma_start3A] : memref<10240x64xf32, #tpu.memory_space<vmem_shared>> -> memref<32x64xf32, #tpu.memory_space<vmem_shared>>
      %dma_start3A_123 = arith.constant 0 : i32
      %dma_start3A_124 = tpu.memref_slice %arg15[%add3A_24, %dma_start3A_123] : memref<10240x64xf32, #tpu.memory_space<vmem_shared>> -> memref<32x64xf32, #tpu.memory_space<vmem_shared>>
      tpu.enqueue_dma source(%arg8 : memref<32x64xf32, #tpu.memory_space<vmem>>) target(%dma_start3A_124 : memref<32x64xf32, #tpu.memory_space<vmem_shared>>) target_semaphore(%run_scoped3A : memref<!tpu.dma_semaphore, #tpu.memory_space<semaphore_mem>>)
      %dma_wait3A = arith.constant 0 : i32
      %dma_wait3A_125 = tpu.memref_slice %arg15[%add3A_24, %dma_wait3A] : memref<10240x64xf32, #tpu.memory_space<vmem_shared>> -> memref<32x64xf32, #tpu.memory_space<vmem_shared>>
      %dma_wait3A_126 = arith.constant 0 : i32
      %dma_wait3A_127 = tpu.memref_slice %arg15[%add3A_24, %dma_wait3A_126] : memref<10240x64xf32, #tpu.memory_space<vmem_shared>> -> memref<32x64xf32, #tpu.memory_space<vmem_shared>>
      tpu.wait_dma2 semaphore(%run_scoped3A : memref<!tpu.dma_semaphore, #tpu.memory_space<semaphore_mem>>) src(%arg8 : memref<32x64xf32, #tpu.memory_space<vmem>>) dst(%dma_wait3A_127 : memref<32x64xf32, #tpu.memory_space<vmem_shared>>)
      tpu.yield
    }) : () -> ()
    %mul3A_25 = arith.constant 640 : i32
    %mul3A_26 = arith.muli %arg1, %mul3A_25 : i32
    %add3A_27 = arith.constant 96 : i32
    %add3A_28 = arith.addi %mul3A_26, %add3A_27 : i32
    "tpu.region"() ({
      %run_scoped3A = tpu.sem_alloc : memref<!tpu.dma_semaphore, #tpu.memory_space<semaphore_mem>>
      %dma_start3A = arith.constant 0 : i32
      %dma_start3A_122 = tpu.memref_slice %arg15[%add3A_28, %dma_start3A] : memref<10240x64xf32, #tpu.memory_space<vmem_shared>> -> memref<32x64xf32, #tpu.memory_space<vmem_shared>>
      %dma_start3A_123 = arith.constant 0 : i32
      %dma_start3A_124 = tpu.memref_slice %arg15[%add3A_28, %dma_start3A_123] : memref<10240x64xf32, #tpu.memory_space<vmem_shared>> -> memref<32x64xf32, #tpu.memory_space<vmem_shared>>
      tpu.enqueue_dma source(%arg8 : memref<32x64xf32, #tpu.memory_space<vmem>>) target(%dma_start3A_124 : memref<32x64xf32, #tpu.memory_space<vmem_shared>>) target_semaphore(%run_scoped3A : memref<!tpu.dma_semaphore, #tpu.memory_space<semaphore_mem>>)
      %dma_wait3A = arith.constant 0 : i32
      %dma_wait3A_125 = tpu.memref_slice %arg15[%add3A_28, %dma_wait3A] : memref<10240x64xf32, #tpu.memory_space<vmem_shared>> -> memref<32x64xf32, #tpu.memory_space<vmem_shared>>
      %dma_wait3A_126 = arith.constant 0 : i32
      %dma_wait3A_127 = tpu.memref_slice %arg15[%add3A_28, %dma_wait3A_126] : memref<10240x64xf32, #tpu.memory_space<vmem_shared>> -> memref<32x64xf32, #tpu.memory_space<vmem_shared>>
      tpu.wait_dma2 semaphore(%run_scoped3A : memref<!tpu.dma_semaphore, #tpu.memory_space<semaphore_mem>>) src(%arg8 : memref<32x64xf32, #tpu.memory_space<vmem>>) dst(%dma_wait3A_127 : memref<32x64xf32, #tpu.memory_space<vmem_shared>>)
      tpu.yield
    }) : () -> ()
    %mul3A_29 = arith.constant 640 : i32
    %mul3A_30 = arith.muli %arg1, %mul3A_29 : i32
    %add3A_31 = arith.constant 128 : i32
    %add3A_32 = arith.addi %mul3A_30, %add3A_31 : i32
    "tpu.region"() ({
      %run_scoped3A = tpu.sem_alloc : memref<!tpu.dma_semaphore, #tpu.memory_space<semaphore_mem>>
      %dma_start3A = arith.constant 0 : i32
      %dma_start3A_122 = tpu.memref_slice %arg15[%add3A_32, %dma_start3A] : memref<10240x64xf32, #tpu.memory_space<vmem_shared>> -> memref<32x64xf32, #tpu.memory_space<vmem_shared>>
      %dma_start3A_123 = arith.constant 0 : i32
      %dma_start3A_124 = tpu.memref_slice %arg15[%add3A_32, %dma_start3A_123] : memref<10240x64xf32, #tpu.memory_space<vmem_shared>> -> memref<32x64xf32, #tpu.memory_space<vmem_shared>>
      tpu.enqueue_dma source(%arg8 : memref<32x64xf32, #tpu.memory_space<vmem>>) target(%dma_start3A_124 : memref<32x64xf32, #tpu.memory_space<vmem_shared>>) target_semaphore(%run_scoped3A : memref<!tpu.dma_semaphore, #tpu.memory_space<semaphore_mem>>)
      %dma_wait3A = arith.constant 0 : i32
      %dma_wait3A_125 = tpu.memref_slice %arg15[%add3A_32, %dma_wait3A] : memref<10240x64xf32, #tpu.memory_space<vmem_shared>> -> memref<32x64xf32, #tpu.memory_space<vmem_shared>>
      %dma_wait3A_126 = arith.constant 0 : i32
      %dma_wait3A_127 = tpu.memref_slice %arg15[%add3A_32, %dma_wait3A_126] : memref<10240x64xf32, #tpu.memory_space<vmem_shared>> -> memref<32x64xf32, #tpu.memory_space<vmem_shared>>
      tpu.wait_dma2 semaphore(%run_scoped3A : memref<!tpu.dma_semaphore, #tpu.memory_space<semaphore_mem>>) src(%arg8 : memref<32x64xf32, #tpu.memory_space<vmem>>) dst(%dma_wait3A_127 : memref<32x64xf32, #tpu.memory_space<vmem_shared>>)
      tpu.yield
    }) : () -> ()
    %mul3A_33 = arith.constant 640 : i32
    %mul3A_34 = arith.muli %arg1, %mul3A_33 : i32
    %add3A_35 = arith.constant 160 : i32
    %add3A_36 = arith.addi %mul3A_34, %add3A_35 : i32
    "tpu.region"() ({
      %run_scoped3A = tpu.sem_alloc : memref<!tpu.dma_semaphore, #tpu.memory_space<semaphore_mem>>
      %dma_start3A = arith.constant 0 : i32
      %dma_start3A_122 = tpu.memref_slice %arg15[%add3A_36, %dma_start3A] : memref<10240x64xf32, #tpu.memory_space<vmem_shared>> -> memref<32x64xf32, #tpu.memory_space<vmem_shared>>
      %dma_start3A_123 = arith.constant 0 : i32
      %dma_start3A_124 = tpu.memref_slice %arg15[%add3A_36, %dma_start3A_123] : memref<10240x64xf32, #tpu.memory_space<vmem_shared>> -> memref<32x64xf32, #tpu.memory_space<vmem_shared>>
      tpu.enqueue_dma source(%arg8 : memref<32x64xf32, #tpu.memory_space<vmem>>) target(%dma_start3A_124 : memref<32x64xf32, #tpu.memory_space<vmem_shared>>) target_semaphore(%run_scoped3A : memref<!tpu.dma_semaphore, #tpu.memory_space<semaphore_mem>>)
      %dma_wait3A = arith.constant 0 : i32
      %dma_wait3A_125 = tpu.memref_slice %arg15[%add3A_36, %dma_wait3A] : memref<10240x64xf32, #tpu.memory_space<vmem_shared>> -> memref<32x64xf32, #tpu.memory_space<vmem_shared>>
      %dma_wait3A_126 = arith.constant 0 : i32
      %dma_wait3A_127 = tpu.memref_slice %arg15[%add3A_36, %dma_wait3A_126] : memref<10240x64xf32, #tpu.memory_space<vmem_shared>> -> memref<32x64xf32, #tpu.memory_space<vmem_shared>>
      tpu.wait_dma2 semaphore(%run_scoped3A : memref<!tpu.dma_semaphore, #tpu.memory_space<semaphore_mem>>) src(%arg8 : memref<32x64xf32, #tpu.memory_space<vmem>>) dst(%dma_wait3A_127 : memref<32x64xf32, #tpu.memory_space<vmem_shared>>)
      tpu.yield
    }) : () -> ()
    %mul3A_37 = arith.constant 640 : i32
    %mul3A_38 = arith.muli %arg1, %mul3A_37 : i32
    %add3A_39 = arith.constant 192 : i32
    %add3A_40 = arith.addi %mul3A_38, %add3A_39 : i32
    "tpu.region"() ({
      %run_scoped3A = tpu.sem_alloc : memref<!tpu.dma_semaphore, #tpu.memory_space<semaphore_mem>>
      %dma_start3A = arith.constant 0 : i32
      %dma_start3A_122 = tpu.memref_slice %arg15[%add3A_40, %dma_start3A] : memref<10240x64xf32, #tpu.memory_space<vmem_shared>> -> memref<32x64xf32, #tpu.memory_space<vmem_shared>>
      %dma_start3A_123 = arith.constant 0 : i32
      %dma_start3A_124 = tpu.memref_slice %arg15[%add3A_40, %dma_start3A_123] : memref<10240x64xf32, #tpu.memory_space<vmem_shared>> -> memref<32x64xf32, #tpu.memory_space<vmem_shared>>
      tpu.enqueue_dma source(%arg8 : memref<32x64xf32, #tpu.memory_space<vmem>>) target(%dma_start3A_124 : memref<32x64xf32, #tpu.memory_space<vmem_shared>>) target_semaphore(%run_scoped3A : memref<!tpu.dma_semaphore, #tpu.memory_space<semaphore_mem>>)
      %dma_wait3A = arith.constant 0 : i32
      %dma_wait3A_125 = tpu.memref_slice %arg15[%add3A_40, %dma_wait3A] : memref<10240x64xf32, #tpu.memory_space<vmem_shared>> -> memref<32x64xf32, #tpu.memory_space<vmem_shared>>
      %dma_wait3A_126 = arith.constant 0 : i32
      %dma_wait3A_127 = tpu.memref_slice %arg15[%add3A_40, %dma_wait3A_126] : memref<10240x64xf32, #tpu.memory_space<vmem_shared>> -> memref<32x64xf32, #tpu.memory_space<vmem_shared>>
      tpu.wait_dma2 semaphore(%run_scoped3A : memref<!tpu.dma_semaphore, #tpu.memory_space<semaphore_mem>>) src(%arg8 : memref<32x64xf32, #tpu.memory_space<vmem>>) dst(%dma_wait3A_127 : memref<32x64xf32, #tpu.memory_space<vmem_shared>>)
      tpu.yield
    }) : () -> ()
    %mul3A_41 = arith.constant 640 : i32
    %mul3A_42 = arith.muli %arg1, %mul3A_41 : i32
    %add3A_43 = arith.constant 224 : i32
    %add3A_44 = arith.addi %mul3A_42, %add3A_43 : i32
    "tpu.region"() ({
      %run_scoped3A = tpu.sem_alloc : memref<!tpu.dma_semaphore, #tpu.memory_space<semaphore_mem>>
      %dma_start3A = arith.constant 0 : i32
      %dma_start3A_122 = tpu.memref_slice %arg15[%add3A_44, %dma_start3A] : memref<10240x64xf32, #tpu.memory_space<vmem_shared>> -> memref<32x64xf32, #tpu.memory_space<vmem_shared>>
      %dma_start3A_123 = arith.constant 0 : i32
      %dma_start3A_124 = tpu.memref_slice %arg15[%add3A_44, %dma_start3A_123] : memref<10240x64xf32, #tpu.memory_space<vmem_shared>> -> memref<32x64xf32, #tpu.memory_space<vmem_shared>>
      tpu.enqueue_dma source(%arg8 : memref<32x64xf32, #tpu.memory_space<vmem>>) target(%dma_start3A_124 : memref<32x64xf32, #tpu.memory_space<vmem_shared>>) target_semaphore(%run_scoped3A : memref<!tpu.dma_semaphore, #tpu.memory_space<semaphore_mem>>)
      %dma_wait3A = arith.constant 0 : i32
      %dma_wait3A_125 = tpu.memref_slice %arg15[%add3A_44, %dma_wait3A] : memref<10240x64xf32, #tpu.memory_space<vmem_shared>> -> memref<32x64xf32, #tpu.memory_space<vmem_shared>>
      %dma_wait3A_126 = arith.constant 0 : i32
      %dma_wait3A_127 = tpu.memref_slice %arg15[%add3A_44, %dma_wait3A_126] : memref<10240x64xf32, #tpu.memory_space<vmem_shared>> -> memref<32x64xf32, #tpu.memory_space<vmem_shared>>
      tpu.wait_dma2 semaphore(%run_scoped3A : memref<!tpu.dma_semaphore, #tpu.memory_space<semaphore_mem>>) src(%arg8 : memref<32x64xf32, #tpu.memory_space<vmem>>) dst(%dma_wait3A_127 : memref<32x64xf32, #tpu.memory_space<vmem_shared>>)
      tpu.yield
    }) : () -> ()
    %mul3A_45 = arith.constant 640 : i32
    %mul3A_46 = arith.muli %arg1, %mul3A_45 : i32
    %add3A_47 = arith.constant 256 : i32
    %add3A_48 = arith.addi %mul3A_46, %add3A_47 : i32
    "tpu.region"() ({
      %run_scoped3A = tpu.sem_alloc : memref<!tpu.dma_semaphore, #tpu.memory_space<semaphore_mem>>
      %dma_start3A = arith.constant 0 : i32
      %dma_start3A_122 = tpu.memref_slice %arg15[%add3A_48, %dma_start3A] : memref<10240x64xf32, #tpu.memory_space<vmem_shared>> -> memref<32x64xf32, #tpu.memory_space<vmem_shared>>
      %dma_start3A_123 = arith.constant 0 : i32
      %dma_start3A_124 = tpu.memref_slice %arg15[%add3A_48, %dma_start3A_123] : memref<10240x64xf32, #tpu.memory_space<vmem_shared>> -> memref<32x64xf32, #tpu.memory_space<vmem_shared>>
      tpu.enqueue_dma source(%arg8 : memref<32x64xf32, #tpu.memory_space<vmem>>) target(%dma_start3A_124 : memref<32x64xf32, #tpu.memory_space<vmem_shared>>) target_semaphore(%run_scoped3A : memref<!tpu.dma_semaphore, #tpu.memory_space<semaphore_mem>>)
      %dma_wait3A = arith.constant 0 : i32
      %dma_wait3A_125 = tpu.memref_slice %arg15[%add3A_48, %dma_wait3A] : memref<10240x64xf32, #tpu.memory_space<vmem_shared>> -> memref<32x64xf32, #tpu.memory_space<vmem_shared>>
      %dma_wait3A_126 = arith.constant 0 : i32
      %dma_wait3A_127 = tpu.memref_slice %arg15[%add3A_48, %dma_wait3A_126] : memref<10240x64xf32, #tpu.memory_space<vmem_shared>> -> memref<32x64xf32, #tpu.memory_space<vmem_shared>>
      tpu.wait_dma2 semaphore(%run_scoped3A : memref<!tpu.dma_semaphore, #tpu.memory_space<semaphore_mem>>) src(%arg8 : memref<32x64xf32, #tpu.memory_space<vmem>>) dst(%dma_wait3A_127 : memref<32x64xf32, #tpu.memory_space<vmem_shared>>)
      tpu.yield
    }) : () -> ()
    %mul3A_49 = arith.constant 640 : i32
    %mul3A_50 = arith.muli %arg1, %mul3A_49 : i32
    %add3A_51 = arith.constant 288 : i32
    %add3A_52 = arith.addi %mul3A_50, %add3A_51 : i32
    "tpu.region"() ({
      %run_scoped3A = tpu.sem_alloc : memref<!tpu.dma_semaphore, #tpu.memory_space<semaphore_mem>>
      %dma_start3A = arith.constant 0 : i32
      %dma_start3A_122 = tpu.memref_slice %arg15[%add3A_52, %dma_start3A] : memref<10240x64xf32, #tpu.memory_space<vmem_shared>> -> memref<32x64xf32, #tpu.memory_space<vmem_shared>>
      %dma_start3A_123 = arith.constant 0 : i32
      %dma_start3A_124 = tpu.memref_slice %arg15[%add3A_52, %dma_start3A_123] : memref<10240x64xf32, #tpu.memory_space<vmem_shared>> -> memref<32x64xf32, #tpu.memory_space<vmem_shared>>
      tpu.enqueue_dma source(%arg8 : memref<32x64xf32, #tpu.memory_space<vmem>>) target(%dma_start3A_124 : memref<32x64xf32, #tpu.memory_space<vmem_shared>>) target_semaphore(%run_scoped3A : memref<!tpu.dma_semaphore, #tpu.memory_space<semaphore_mem>>)
      %dma_wait3A = arith.constant 0 : i32
      %dma_wait3A_125 = tpu.memref_slice %arg15[%add3A_52, %dma_wait3A] : memref<10240x64xf32, #tpu.memory_space<vmem_shared>> -> memref<32x64xf32, #tpu.memory_space<vmem_shared>>
      %dma_wait3A_126 = arith.constant 0 : i32
      %dma_wait3A_127 = tpu.memref_slice %arg15[%add3A_52, %dma_wait3A_126] : memref<10240x64xf32, #tpu.memory_space<vmem_shared>> -> memref<32x64xf32, #tpu.memory_space<vmem_shared>>
      tpu.wait_dma2 semaphore(%run_scoped3A : memref<!tpu.dma_semaphore, #tpu.memory_space<semaphore_mem>>) src(%arg8 : memref<32x64xf32, #tpu.memory_space<vmem>>) dst(%dma_wait3A_127 : memref<32x64xf32, #tpu.memory_space<vmem_shared>>)
      tpu.yield
    }) : () -> ()
    %mul3A_53 = arith.constant 640 : i32
    %mul3A_54 = arith.muli %arg1, %mul3A_53 : i32
    %add3A_55 = arith.constant 320 : i32
    %add3A_56 = arith.addi %mul3A_54, %add3A_55 : i32
    "tpu.region"() ({
      %run_scoped3A = tpu.sem_alloc : memref<!tpu.dma_semaphore, #tpu.memory_space<semaphore_mem>>
      %dma_start3A = arith.constant 0 : i32
      %dma_start3A_122 = tpu.memref_slice %arg15[%add3A_56, %dma_start3A] : memref<10240x64xf32, #tpu.memory_space<vmem_shared>> -> memref<32x64xf32, #tpu.memory_space<vmem_shared>>
      %dma_start3A_123 = arith.constant 0 : i32
      %dma_start3A_124 = tpu.memref_slice %arg15[%add3A_56, %dma_start3A_123] : memref<10240x64xf32, #tpu.memory_space<vmem_shared>> -> memref<32x64xf32, #tpu.memory_space<vmem_shared>>
      tpu.enqueue_dma source(%arg8 : memref<32x64xf32, #tpu.memory_space<vmem>>) target(%dma_start3A_124 : memref<32x64xf32, #tpu.memory_space<vmem_shared>>) target_semaphore(%run_scoped3A : memref<!tpu.dma_semaphore, #tpu.memory_space<semaphore_mem>>)
      %dma_wait3A = arith.constant 0 : i32
      %dma_wait3A_125 = tpu.memref_slice %arg15[%add3A_56, %dma_wait3A] : memref<10240x64xf32, #tpu.memory_space<vmem_shared>> -> memref<32x64xf32, #tpu.memory_space<vmem_shared>>
      %dma_wait3A_126 = arith.constant 0 : i32
      %dma_wait3A_127 = tpu.memref_slice %arg15[%add3A_56, %dma_wait3A_126] : memref<10240x64xf32, #tpu.memory_space<vmem_shared>> -> memref<32x64xf32, #tpu.memory_space<vmem_shared>>
      tpu.wait_dma2 semaphore(%run_scoped3A : memref<!tpu.dma_semaphore, #tpu.memory_space<semaphore_mem>>) src(%arg8 : memref<32x64xf32, #tpu.memory_space<vmem>>) dst(%dma_wait3A_127 : memref<32x64xf32, #tpu.memory_space<vmem_shared>>)
      tpu.yield
    }) : () -> ()
    %mul3A_57 = arith.constant 640 : i32
    %mul3A_58 = arith.muli %arg1, %mul3A_57 : i32
    %add3A_59 = arith.constant 352 : i32
    %add3A_60 = arith.addi %mul3A_58, %add3A_59 : i32
    "tpu.region"() ({
      %run_scoped3A = tpu.sem_alloc : memref<!tpu.dma_semaphore, #tpu.memory_space<semaphore_mem>>
      %dma_start3A = arith.constant 0 : i32
      %dma_start3A_122 = tpu.memref_slice %arg15[%add3A_60, %dma_start3A] : memref<10240x64xf32, #tpu.memory_space<vmem_shared>> -> memref<32x64xf32, #tpu.memory_space<vmem_shared>>
      %dma_start3A_123 = arith.constant 0 : i32
      %dma_start3A_124 = tpu.memref_slice %arg15[%add3A_60, %dma_start3A_123] : memref<10240x64xf32, #tpu.memory_space<vmem_shared>> -> memref<32x64xf32, #tpu.memory_space<vmem_shared>>
      tpu.enqueue_dma source(%arg8 : memref<32x64xf32, #tpu.memory_space<vmem>>) target(%dma_start3A_124 : memref<32x64xf32, #tpu.memory_space<vmem_shared>>) target_semaphore(%run_scoped3A : memref<!tpu.dma_semaphore, #tpu.memory_space<semaphore_mem>>)
      %dma_wait3A = arith.constant 0 : i32
      %dma_wait3A_125 = tpu.memref_slice %arg15[%add3A_60, %dma_wait3A] : memref<10240x64xf32, #tpu.memory_space<vmem_shared>> -> memref<32x64xf32, #tpu.memory_space<vmem_shared>>
      %dma_wait3A_126 = arith.constant 0 : i32
      %dma_wait3A_127 = tpu.memref_slice %arg15[%add3A_60, %dma_wait3A_126] : memref<10240x64xf32, #tpu.memory_space<vmem_shared>> -> memref<32x64xf32, #tpu.memory_space<vmem_shared>>
      tpu.wait_dma2 semaphore(%run_scoped3A : memref<!tpu.dma_semaphore, #tpu.memory_space<semaphore_mem>>) src(%arg8 : memref<32x64xf32, #tpu.memory_space<vmem>>) dst(%dma_wait3A_127 : memref<32x64xf32, #tpu.memory_space<vmem_shared>>)
      tpu.yield
    }) : () -> ()
    %mul3A_61 = arith.constant 640 : i32
    %mul3A_62 = arith.muli %arg1, %mul3A_61 : i32
    %add3A_63 = arith.constant 384 : i32
    %add3A_64 = arith.addi %mul3A_62, %add3A_63 : i32
    "tpu.region"() ({
      %run_scoped3A = tpu.sem_alloc : memref<!tpu.dma_semaphore, #tpu.memory_space<semaphore_mem>>
      %dma_start3A = arith.constant 0 : i32
      %dma_start3A_122 = tpu.memref_slice %arg15[%add3A_64, %dma_start3A] : memref<10240x64xf32, #tpu.memory_space<vmem_shared>> -> memref<32x64xf32, #tpu.memory_space<vmem_shared>>
      %dma_start3A_123 = arith.constant 0 : i32
      %dma_start3A_124 = tpu.memref_slice %arg15[%add3A_64, %dma_start3A_123] : memref<10240x64xf32, #tpu.memory_space<vmem_shared>> -> memref<32x64xf32, #tpu.memory_space<vmem_shared>>
      tpu.enqueue_dma source(%arg8 : memref<32x64xf32, #tpu.memory_space<vmem>>) target(%dma_start3A_124 : memref<32x64xf32, #tpu.memory_space<vmem_shared>>) target_semaphore(%run_scoped3A : memref<!tpu.dma_semaphore, #tpu.memory_space<semaphore_mem>>)
      %dma_wait3A = arith.constant 0 : i32
      %dma_wait3A_125 = tpu.memref_slice %arg15[%add3A_64, %dma_wait3A] : memref<10240x64xf32, #tpu.memory_space<vmem_shared>> -> memref<32x64xf32, #tpu.memory_space<vmem_shared>>
      %dma_wait3A_126 = arith.constant 0 : i32
      %dma_wait3A_127 = tpu.memref_slice %arg15[%add3A_64, %dma_wait3A_126] : memref<10240x64xf32, #tpu.memory_space<vmem_shared>> -> memref<32x64xf32, #tpu.memory_space<vmem_shared>>
      tpu.wait_dma2 semaphore(%run_scoped3A : memref<!tpu.dma_semaphore, #tpu.memory_space<semaphore_mem>>) src(%arg8 : memref<32x64xf32, #tpu.memory_space<vmem>>) dst(%dma_wait3A_127 : memref<32x64xf32, #tpu.memory_space<vmem_shared>>)
      tpu.yield
    }) : () -> ()
    %mul3A_65 = arith.constant 640 : i32
    %mul3A_66 = arith.muli %arg1, %mul3A_65 : i32
    %add3A_67 = arith.constant 416 : i32
    %add3A_68 = arith.addi %mul3A_66, %add3A_67 : i32
    "tpu.region"() ({
      %run_scoped3A = tpu.sem_alloc : memref<!tpu.dma_semaphore, #tpu.memory_space<semaphore_mem>>
      %dma_start3A = arith.constant 0 : i32
      %dma_start3A_122 = tpu.memref_slice %arg15[%add3A_68, %dma_start3A] : memref<10240x64xf32, #tpu.memory_space<vmem_shared>> -> memref<32x64xf32, #tpu.memory_space<vmem_shared>>
      %dma_start3A_123 = arith.constant 0 : i32
      %dma_start3A_124 = tpu.memref_slice %arg15[%add3A_68, %dma_start3A_123] : memref<10240x64xf32, #tpu.memory_space<vmem_shared>> -> memref<32x64xf32, #tpu.memory_space<vmem_shared>>
      tpu.enqueue_dma source(%arg8 : memref<32x64xf32, #tpu.memory_space<vmem>>) target(%dma_start3A_124 : memref<32x64xf32, #tpu.memory_space<vmem_shared>>) target_semaphore(%run_scoped3A : memref<!tpu.dma_semaphore, #tpu.memory_space<semaphore_mem>>)
      %dma_wait3A = arith.constant 0 : i32
      %dma_wait3A_125 = tpu.memref_slice %arg15[%add3A_68, %dma_wait3A] : memref<10240x64xf32, #tpu.memory_space<vmem_shared>> -> memref<32x64xf32, #tpu.memory_space<vmem_shared>>
      %dma_wait3A_126 = arith.constant 0 : i32
      %dma_wait3A_127 = tpu.memref_slice %arg15[%add3A_68, %dma_wait3A_126] : memref<10240x64xf32, #tpu.memory_space<vmem_shared>> -> memref<32x64xf32, #tpu.memory_space<vmem_shared>>
      tpu.wait_dma2 semaphore(%run_scoped3A : memref<!tpu.dma_semaphore, #tpu.memory_space<semaphore_mem>>) src(%arg8 : memref<32x64xf32, #tpu.memory_space<vmem>>) dst(%dma_wait3A_127 : memref<32x64xf32, #tpu.memory_space<vmem_shared>>)
      tpu.yield
    }) : () -> ()
    %mul3A_69 = arith.constant 640 : i32
    %mul3A_70 = arith.muli %arg1, %mul3A_69 : i32
    %add3A_71 = arith.constant 448 : i32
    %add3A_72 = arith.addi %mul3A_70, %add3A_71 : i32
    "tpu.region"() ({
      %run_scoped3A = tpu.sem_alloc : memref<!tpu.dma_semaphore, #tpu.memory_space<semaphore_mem>>
      %dma_start3A = arith.constant 0 : i32
      %dma_start3A_122 = tpu.memref_slice %arg15[%add3A_72, %dma_start3A] : memref<10240x64xf32, #tpu.memory_space<vmem_shared>> -> memref<32x64xf32, #tpu.memory_space<vmem_shared>>
      %dma_start3A_123 = arith.constant 0 : i32
      %dma_start3A_124 = tpu.memref_slice %arg15[%add3A_72, %dma_start3A_123] : memref<10240x64xf32, #tpu.memory_space<vmem_shared>> -> memref<32x64xf32, #tpu.memory_space<vmem_shared>>
      tpu.enqueue_dma source(%arg8 : memref<32x64xf32, #tpu.memory_space<vmem>>) target(%dma_start3A_124 : memref<32x64xf32, #tpu.memory_space<vmem_shared>>) target_semaphore(%run_scoped3A : memref<!tpu.dma_semaphore, #tpu.memory_space<semaphore_mem>>)
      %dma_wait3A = arith.constant 0 : i32
      %dma_wait3A_125 = tpu.memref_slice %arg15[%add3A_72, %dma_wait3A] : memref<10240x64xf32, #tpu.memory_space<vmem_shared>> -> memref<32x64xf32, #tpu.memory_space<vmem_shared>>
      %dma_wait3A_126 = arith.constant 0 : i32
      %dma_wait3A_127 = tpu.memref_slice %arg15[%add3A_72, %dma_wait3A_126] : memref<10240x64xf32, #tpu.memory_space<vmem_shared>> -> memref<32x64xf32, #tpu.memory_space<vmem_shared>>
      tpu.wait_dma2 semaphore(%run_scoped3A : memref<!tpu.dma_semaphore, #tpu.memory_space<semaphore_mem>>) src(%arg8 : memref<32x64xf32, #tpu.memory_space<vmem>>) dst(%dma_wait3A_127 : memref<32x64xf32, #tpu.memory_space<vmem_shared>>)
      tpu.yield
    }) : () -> ()
    %mul3A_73 = arith.constant 640 : i32
    %mul3A_74 = arith.muli %arg1, %mul3A_73 : i32
    %add3A_75 = arith.constant 480 : i32
    %add3A_76 = arith.addi %mul3A_74, %add3A_75 : i32
    "tpu.region"() ({
      %run_scoped3A = tpu.sem_alloc : memref<!tpu.dma_semaphore, #tpu.memory_space<semaphore_mem>>
      %dma_start3A = arith.constant 0 : i32
      %dma_start3A_122 = tpu.memref_slice %arg15[%add3A_76, %dma_start3A] : memref<10240x64xf32, #tpu.memory_space<vmem_shared>> -> memref<32x64xf32, #tpu.memory_space<vmem_shared>>
      %dma_start3A_123 = arith.constant 0 : i32
      %dma_start3A_124 = tpu.memref_slice %arg15[%add3A_76, %dma_start3A_123] : memref<10240x64xf32, #tpu.memory_space<vmem_shared>> -> memref<32x64xf32, #tpu.memory_space<vmem_shared>>
      tpu.enqueue_dma source(%arg8 : memref<32x64xf32, #tpu.memory_space<vmem>>) target(%dma_start3A_124 : memref<32x64xf32, #tpu.memory_space<vmem_shared>>) target_semaphore(%run_scoped3A : memref<!tpu.dma_semaphore, #tpu.memory_space<semaphore_mem>>)
      %dma_wait3A = arith.constant 0 : i32
      %dma_wait3A_125 = tpu.memref_slice %arg15[%add3A_76, %dma_wait3A] : memref<10240x64xf32, #tpu.memory_space<vmem_shared>> -> memref<32x64xf32, #tpu.memory_space<vmem_shared>>
      %dma_wait3A_126 = arith.constant 0 : i32
      %dma_wait3A_127 = tpu.memref_slice %arg15[%add3A_76, %dma_wait3A_126] : memref<10240x64xf32, #tpu.memory_space<vmem_shared>> -> memref<32x64xf32, #tpu.memory_space<vmem_shared>>
      tpu.wait_dma2 semaphore(%run_scoped3A : memref<!tpu.dma_semaphore, #tpu.memory_space<semaphore_mem>>) src(%arg8 : memref<32x64xf32, #tpu.memory_space<vmem>>) dst(%dma_wait3A_127 : memref<32x64xf32, #tpu.memory_space<vmem_shared>>)
      tpu.yield
    }) : () -> ()
    %mul3A_77 = arith.constant 640 : i32
    %mul3A_78 = arith.muli %arg1, %mul3A_77 : i32
    %add3A_79 = arith.constant 512 : i32
    %add3A_80 = arith.addi %mul3A_78, %add3A_79 : i32
    "tpu.region"() ({
      %run_scoped3A = tpu.sem_alloc : memref<!tpu.dma_semaphore, #tpu.memory_space<semaphore_mem>>
      %dma_start3A = arith.constant 0 : i32
      %dma_start3A_122 = tpu.memref_slice %arg15[%add3A_80, %dma_start3A] : memref<10240x64xf32, #tpu.memory_space<vmem_shared>> -> memref<32x64xf32, #tpu.memory_space<vmem_shared>>
      %dma_start3A_123 = arith.constant 0 : i32
      %dma_start3A_124 = tpu.memref_slice %arg15[%add3A_80, %dma_start3A_123] : memref<10240x64xf32, #tpu.memory_space<vmem_shared>> -> memref<32x64xf32, #tpu.memory_space<vmem_shared>>
      tpu.enqueue_dma source(%arg8 : memref<32x64xf32, #tpu.memory_space<vmem>>) target(%dma_start3A_124 : memref<32x64xf32, #tpu.memory_space<vmem_shared>>) target_semaphore(%run_scoped3A : memref<!tpu.dma_semaphore, #tpu.memory_space<semaphore_mem>>)
      %dma_wait3A = arith.constant 0 : i32
      %dma_wait3A_125 = tpu.memref_slice %arg15[%add3A_80, %dma_wait3A] : memref<10240x64xf32, #tpu.memory_space<vmem_shared>> -> memref<32x64xf32, #tpu.memory_space<vmem_shared>>
      %dma_wait3A_126 = arith.constant 0 : i32
      %dma_wait3A_127 = tpu.memref_slice %arg15[%add3A_80, %dma_wait3A_126] : memref<10240x64xf32, #tpu.memory_space<vmem_shared>> -> memref<32x64xf32, #tpu.memory_space<vmem_shared>>
      tpu.wait_dma2 semaphore(%run_scoped3A : memref<!tpu.dma_semaphore, #tpu.memory_space<semaphore_mem>>) src(%arg8 : memref<32x64xf32, #tpu.memory_space<vmem>>) dst(%dma_wait3A_127 : memref<32x64xf32, #tpu.memory_space<vmem_shared>>)
      tpu.yield
    }) : () -> ()
    %mul3A_81 = arith.constant 640 : i32
    %mul3A_82 = arith.muli %arg1, %mul3A_81 : i32
    %add3A_83 = arith.constant 544 : i32
    %add3A_84 = arith.addi %mul3A_82, %add3A_83 : i32
    "tpu.region"() ({
      %run_scoped3A = tpu.sem_alloc : memref<!tpu.dma_semaphore, #tpu.memory_space<semaphore_mem>>
      %dma_start3A = arith.constant 0 : i32
      %dma_start3A_122 = tpu.memref_slice %arg15[%add3A_84, %dma_start3A] : memref<10240x64xf32, #tpu.memory_space<vmem_shared>> -> memref<32x64xf32, #tpu.memory_space<vmem_shared>>
      %dma_start3A_123 = arith.constant 0 : i32
      %dma_start3A_124 = tpu.memref_slice %arg15[%add3A_84, %dma_start3A_123] : memref<10240x64xf32, #tpu.memory_space<vmem_shared>> -> memref<32x64xf32, #tpu.memory_space<vmem_shared>>
      tpu.enqueue_dma source(%arg8 : memref<32x64xf32, #tpu.memory_space<vmem>>) target(%dma_start3A_124 : memref<32x64xf32, #tpu.memory_space<vmem_shared>>) target_semaphore(%run_scoped3A : memref<!tpu.dma_semaphore, #tpu.memory_space<semaphore_mem>>)
      %dma_wait3A = arith.constant 0 : i32
      %dma_wait3A_125 = tpu.memref_slice %arg15[%add3A_84, %dma_wait3A] : memref<10240x64xf32, #tpu.memory_space<vmem_shared>> -> memref<32x64xf32, #tpu.memory_space<vmem_shared>>
      %dma_wait3A_126 = arith.constant 0 : i32
      %dma_wait3A_127 = tpu.memref_slice %arg15[%add3A_84, %dma_wait3A_126] : memref<10240x64xf32, #tpu.memory_space<vmem_shared>> -> memref<32x64xf32, #tpu.memory_space<vmem_shared>>
      tpu.wait_dma2 semaphore(%run_scoped3A : memref<!tpu.dma_semaphore, #tpu.memory_space<semaphore_mem>>) src(%arg8 : memref<32x64xf32, #tpu.memory_space<vmem>>) dst(%dma_wait3A_127 : memref<32x64xf32, #tpu.memory_space<vmem_shared>>)
      tpu.yield
    }) : () -> ()
    %mul3A_85 = arith.constant 640 : i32
    %mul3A_86 = arith.muli %arg1, %mul3A_85 : i32
    %add3A_87 = arith.constant 576 : i32
    %add3A_88 = arith.addi %mul3A_86, %add3A_87 : i32
    "tpu.region"() ({
      %run_scoped3A = tpu.sem_alloc : memref<!tpu.dma_semaphore, #tpu.memory_space<semaphore_mem>>
      %dma_start3A = arith.constant 0 : i32
      %dma_start3A_122 = tpu.memref_slice %arg15[%add3A_88, %dma_start3A] : memref<10240x64xf32, #tpu.memory_space<vmem_shared>> -> memref<32x64xf32, #tpu.memory_space<vmem_shared>>
      %dma_start3A_123 = arith.constant 0 : i32
      %dma_start3A_124 = tpu.memref_slice %arg15[%add3A_88, %dma_start3A_123] : memref<10240x64xf32, #tpu.memory_space<vmem_shared>> -> memref<32x64xf32, #tpu.memory_space<vmem_shared>>
      tpu.enqueue_dma source(%arg8 : memref<32x64xf32, #tpu.memory_space<vmem>>) target(%dma_start3A_124 : memref<32x64xf32, #tpu.memory_space<vmem_shared>>) target_semaphore(%run_scoped3A : memref<!tpu.dma_semaphore, #tpu.memory_space<semaphore_mem>>)
      %dma_wait3A = arith.constant 0 : i32
      %dma_wait3A_125 = tpu.memref_slice %arg15[%add3A_88, %dma_wait3A] : memref<10240x64xf32, #tpu.memory_space<vmem_shared>> -> memref<32x64xf32, #tpu.memory_space<vmem_shared>>
      %dma_wait3A_126 = arith.constant 0 : i32
      %dma_wait3A_127 = tpu.memref_slice %arg15[%add3A_88, %dma_wait3A_126] : memref<10240x64xf32, #tpu.memory_space<vmem_shared>> -> memref<32x64xf32, #tpu.memory_space<vmem_shared>>
      tpu.wait_dma2 semaphore(%run_scoped3A : memref<!tpu.dma_semaphore, #tpu.memory_space<semaphore_mem>>) src(%arg8 : memref<32x64xf32, #tpu.memory_space<vmem>>) dst(%dma_wait3A_127 : memref<32x64xf32, #tpu.memory_space<vmem_shared>>)
      tpu.yield
    }) : () -> ()
    %mul3A_89 = arith.constant 640 : i32
    %mul3A_90 = arith.muli %arg1, %mul3A_89 : i32
    %add3A_91 = arith.constant 608 : i32
    %add3A_92 = arith.addi %mul3A_90, %add3A_91 : i32
    "tpu.region"() ({
      %run_scoped3A = tpu.sem_alloc : memref<!tpu.dma_semaphore, #tpu.memory_space<semaphore_mem>>
      %dma_start3A = arith.constant 0 : i32
      %dma_start3A_122 = tpu.memref_slice %arg15[%add3A_92, %dma_start3A] : memref<10240x64xf32, #tpu.memory_space<vmem_shared>> -> memref<32x64xf32, #tpu.memory_space<vmem_shared>>
      %dma_start3A_123 = arith.constant 0 : i32
      %dma_start3A_124 = tpu.memref_slice %arg15[%add3A_92, %dma_start3A_123] : memref<10240x64xf32, #tpu.memory_space<vmem_shared>> -> memref<32x64xf32, #tpu.memory_space<vmem_shared>>
      tpu.enqueue_dma source(%arg8 : memref<32x64xf32, #tpu.memory_space<vmem>>) target(%dma_start3A_124 : memref<32x64xf32, #tpu.memory_space<vmem_shared>>) target_semaphore(%run_scoped3A : memref<!tpu.dma_semaphore, #tpu.memory_space<semaphore_mem>>)
      %dma_wait3A = arith.constant 0 : i32
      %dma_wait3A_125 = tpu.memref_slice %arg15[%add3A_92, %dma_wait3A] : memref<10240x64xf32, #tpu.memory_space<vmem_shared>> -> memref<32x64xf32, #tpu.memory_space<vmem_shared>>
      %dma_wait3A_126 = arith.constant 0 : i32
      %dma_wait3A_127 = tpu.memref_slice %arg15[%add3A_92, %dma_wait3A_126] : memref<10240x64xf32, #tpu.memory_space<vmem_shared>> -> memref<32x64xf32, #tpu.memory_space<vmem_shared>>
      tpu.wait_dma2 semaphore(%run_scoped3A : memref<!tpu.dma_semaphore, #tpu.memory_space<semaphore_mem>>) src(%arg8 : memref<32x64xf32, #tpu.memory_space<vmem>>) dst(%dma_wait3A_127 : memref<32x64xf32, #tpu.memory_space<vmem_shared>>)
      tpu.yield
    }) : () -> ()
    %barrier3A = arith.constant 0 : index
    tpu.barrier barrier_id(%barrier3A)
    %scan3A_93 = arith.constant 0 : i32
    %scan3A_94 = arith.constant 0 : i32
    %scan3A_95 = arith.constant 2 : i32
    %scan3A_96 = arith.addi %scan3A_94, %scan3A_95 : i32
    %scan3A_97 = arith.constant 1 : i32
    %scan3A_98 = scf.for %scan3A_122 = %scan3A_94 to %scan3A_96 step %scan3A_97 iter_args(%scan3A_123 = %scan3A_93) -> (i32)  : i32 {
      %mul3A_124 = arith.constant 2 : i32
      %mul3A_125 = arith.muli %arg1, %mul3A_124 : i32
      %add3A_126 = arith.addi %mul3A_125, %scan3A_122 : i32
      "tpu.region"() ({
        %run_scoped3A = tpu.sem_alloc : memref<!tpu.dma_semaphore, #tpu.memory_space<semaphore_mem>>
        %dma_start3A = arith.constant 0 : i32
        %dma_start3A_142 = arith.constant 0 : i32
        %dma_start3A_143 = tpu.memref_slice %arg3[%add3A_126, %dma_start3A, %dma_start3A_142] : memref<32x125x80xi32, #tpu.memory_space<hbm>> -> memref<1x125x80xi32, #tpu.memory_space<hbm>>
        %dma_start3A_144 = tpu.memref_squeeze %dma_start3A_143 : memref<1x125x80xi32, #tpu.memory_space<hbm>> -> memref<125x80xi32, #tpu.memory_space<hbm>>
        %dma_start3A_145 = arith.constant 0 : i32
        %dma_start3A_146 = arith.constant 0 : i32
        %dma_start3A_147 = tpu.memref_slice %arg3[%add3A_126, %dma_start3A_145, %dma_start3A_146] : memref<32x125x80xi32, #tpu.memory_space<hbm>> -> memref<1x125x80xi32, #tpu.memory_space<hbm>>
        %dma_start3A_148 = tpu.memref_squeeze %dma_start3A_147 : memref<1x125x80xi32, #tpu.memory_space<hbm>> -> memref<125x80xi32, #tpu.memory_space<hbm>>
        tpu.enqueue_dma source(%dma_start3A_148 : memref<125x80xi32, #tpu.memory_space<hbm>>) target(%arg10 : memref<125x80xi32, #tpu.memory_space<vmem>>) target_semaphore(%run_scoped3A : memref<!tpu.dma_semaphore, #tpu.memory_space<semaphore_mem>>)
        %dma_wait3A = arith.constant 0 : i32
        %dma_wait3A_149 = arith.constant 0 : i32
        %dma_wait3A_150 = tpu.memref_slice %arg3[%add3A_126, %dma_wait3A, %dma_wait3A_149] : memref<32x125x80xi32, #tpu.memory_space<hbm>> -> memref<1x125x80xi32, #tpu.memory_space<hbm>>
        %dma_wait3A_151 = tpu.memref_squeeze %dma_wait3A_150 : memref<1x125x80xi32, #tpu.memory_space<hbm>> -> memref<125x80xi32, #tpu.memory_space<hbm>>
        %dma_wait3A_152 = arith.constant 0 : i32
        %dma_wait3A_153 = arith.constant 0 : i32
        %dma_wait3A_154 = tpu.memref_slice %arg3[%add3A_126, %dma_wait3A_152, %dma_wait3A_153] : memref<32x125x80xi32, #tpu.memory_space<hbm>> -> memref<1x125x80xi32, #tpu.memory_space<hbm>>
        %dma_wait3A_155 = tpu.memref_squeeze %dma_wait3A_154 : memref<1x125x80xi32, #tpu.memory_space<hbm>> -> memref<125x80xi32, #tpu.memory_space<hbm>>
        tpu.wait_dma2 semaphore(%run_scoped3A : memref<!tpu.dma_semaphore, #tpu.memory_space<semaphore_mem>>) src(%dma_wait3A_155 : memref<125x80xi32, #tpu.memory_space<hbm>>) dst(%arg10 : memref<125x80xi32, #tpu.memory_space<vmem>>)
        tpu.yield
      }) : () -> ()
      "tpu.region"() ({
        %run_scoped3A = tpu.sem_alloc : memref<!tpu.dma_semaphore, #tpu.memory_space<semaphore_mem>>
        %dma_start3A = arith.constant 0 : i32
        %dma_start3A_142 = arith.constant 0 : i32
        %dma_start3A_143 = tpu.memref_slice %arg4[%add3A_126, %dma_start3A, %dma_start3A_142] : memref<32x125x80xi32, #tpu.memory_space<hbm>> -> memref<1x125x80xi32, #tpu.memory_space<hbm>>
        %dma_start3A_144 = tpu.memref_squeeze %dma_start3A_143 : memref<1x125x80xi32, #tpu.memory_space<hbm>> -> memref<125x80xi32, #tpu.memory_space<hbm>>
        %dma_start3A_145 = arith.constant 0 : i32
        %dma_start3A_146 = arith.constant 0 : i32
        %dma_start3A_147 = tpu.memref_slice %arg4[%add3A_126, %dma_start3A_145, %dma_start3A_146] : memref<32x125x80xi32, #tpu.memory_space<hbm>> -> memref<1x125x80xi32, #tpu.memory_space<hbm>>
        %dma_start3A_148 = tpu.memref_squeeze %dma_start3A_147 : memref<1x125x80xi32, #tpu.memory_space<hbm>> -> memref<125x80xi32, #tpu.memory_space<hbm>>
        tpu.enqueue_dma source(%dma_start3A_148 : memref<125x80xi32, #tpu.memory_space<hbm>>) target(%arg11 : memref<125x80xi32, #tpu.memory_space<vmem>>) target_semaphore(%run_scoped3A : memref<!tpu.dma_semaphore, #tpu.memory_space<semaphore_mem>>)
        %dma_wait3A = arith.constant 0 : i32
        %dma_wait3A_149 = arith.constant 0 : i32
        %dma_wait3A_150 = tpu.memref_slice %arg4[%add3A_126, %dma_wait3A, %dma_wait3A_149] : memref<32x125x80xi32, #tpu.memory_space<hbm>> -> memref<1x125x80xi32, #tpu.memory_space<hbm>>
        %dma_wait3A_151 = tpu.memref_squeeze %dma_wait3A_150 : memref<1x125x80xi32, #tpu.memory_space<hbm>> -> memref<125x80xi32, #tpu.memory_space<hbm>>
        %dma_wait3A_152 = arith.constant 0 : i32
        %dma_wait3A_153 = arith.constant 0 : i32
        %dma_wait3A_154 = tpu.memref_slice %arg4[%add3A_126, %dma_wait3A_152, %dma_wait3A_153] : memref<32x125x80xi32, #tpu.memory_space<hbm>> -> memref<1x125x80xi32, #tpu.memory_space<hbm>>
        %dma_wait3A_155 = tpu.memref_squeeze %dma_wait3A_154 : memref<1x125x80xi32, #tpu.memory_space<hbm>> -> memref<125x80xi32, #tpu.memory_space<hbm>>
        tpu.wait_dma2 semaphore(%run_scoped3A : memref<!tpu.dma_semaphore, #tpu.memory_space<semaphore_mem>>) src(%dma_wait3A_155 : memref<125x80xi32, #tpu.memory_space<hbm>>) dst(%arg11 : memref<125x80xi32, #tpu.memory_space<vmem>>)
        tpu.yield
      }) : () -> ()
      "tpu.region"() ({
        %run_scoped3A = tpu.sem_alloc : memref<!tpu.dma_semaphore, #tpu.memory_space<semaphore_mem>>
        %dma_start3A = arith.constant 0 : i32
        %dma_start3A_142 = arith.constant 0 : i32
        %dma_start3A_143 = tpu.memref_slice %arg5[%add3A_126, %dma_start3A, %dma_start3A_142] : memref<32x125x80xf32, #tpu.memory_space<hbm>> -> memref<1x125x80xf32, #tpu.memory_space<hbm>>
        %dma_start3A_144 = tpu.memref_squeeze %dma_start3A_143 : memref<1x125x80xf32, #tpu.memory_space<hbm>> -> memref<125x80xf32, #tpu.memory_space<hbm>>
        %dma_start3A_145 = arith.constant 0 : i32
        %dma_start3A_146 = arith.constant 0 : i32
        %dma_start3A_147 = tpu.memref_slice %arg5[%add3A_126, %dma_start3A_145, %dma_start3A_146] : memref<32x125x80xf32, #tpu.memory_space<hbm>> -> memref<1x125x80xf32, #tpu.memory_space<hbm>>
        %dma_start3A_148 = tpu.memref_squeeze %dma_start3A_147 : memref<1x125x80xf32, #tpu.memory_space<hbm>> -> memref<125x80xf32, #tpu.memory_space<hbm>>
        tpu.enqueue_dma source(%dma_start3A_148 : memref<125x80xf32, #tpu.memory_space<hbm>>) target(%arg12 : memref<125x80xf32, #tpu.memory_space<vmem>>) target_semaphore(%run_scoped3A : memref<!tpu.dma_semaphore, #tpu.memory_space<semaphore_mem>>)
        %dma_wait3A = arith.constant 0 : i32
        %dma_wait3A_149 = arith.constant 0 : i32
        %dma_wait3A_150 = tpu.memref_slice %arg5[%add3A_126, %dma_wait3A, %dma_wait3A_149] : memref<32x125x80xf32, #tpu.memory_space<hbm>> -> memref<1x125x80xf32, #tpu.memory_space<hbm>>
        %dma_wait3A_151 = tpu.memref_squeeze %dma_wait3A_150 : memref<1x125x80xf32, #tpu.memory_space<hbm>> -> memref<125x80xf32, #tpu.memory_space<hbm>>
        %dma_wait3A_152 = arith.constant 0 : i32
        %dma_wait3A_153 = arith.constant 0 : i32
        %dma_wait3A_154 = tpu.memref_slice %arg5[%add3A_126, %dma_wait3A_152, %dma_wait3A_153] : memref<32x125x80xf32, #tpu.memory_space<hbm>> -> memref<1x125x80xf32, #tpu.memory_space<hbm>>
        %dma_wait3A_155 = tpu.memref_squeeze %dma_wait3A_154 : memref<1x125x80xf32, #tpu.memory_space<hbm>> -> memref<125x80xf32, #tpu.memory_space<hbm>>
        tpu.wait_dma2 semaphore(%run_scoped3A : memref<!tpu.dma_semaphore, #tpu.memory_space<semaphore_mem>>) src(%dma_wait3A_155 : memref<125x80xf32, #tpu.memory_space<hbm>>) dst(%arg12 : memref<125x80xf32, #tpu.memory_space<vmem>>)
        tpu.yield
      }) : () -> ()
      %scan3A_127 = arith.constant 0 : i32
      %scan3A_128 = arith.constant 0 : i32
      %scan3A_129 = arith.constant 625 : i32
      %scan3A_130 = arith.addi %scan3A_128, %scan3A_129 : i32
      %scan3A_131 = arith.constant 1 : i32
      %scan3A_132 = scf.for %scan3A_142 = %scan3A_128 to %scan3A_130 step %scan3A_131 iter_args(%scan3A_143 = %scan3A_127) -> (i32)  : i32 {
        %div3A = arith.constant 5 : i32
        %div3A_144 = arith.divsi %scan3A_142, %div3A : i32
        %rem3A = arith.constant 5 : i32
        %rem3A_145 = arith.remsi %scan3A_142, %rem3A : i32
        %mul3A_146 = arith.constant 16 : i32
        %mul3A_147 = arith.muli %rem3A_145, %mul3A_146 : i32
        %get3A = arith.index_cast %div3A_144 : i32 to index
        %get3A_148 = arith.index_cast %mul3A_147 : i32 to index
        %get3A_149 = tpu.vector_load %arg10[%get3A, %get3A_148] {strides = array<i32>} : memref<125x80xi32, #tpu.memory_space<vmem>>, vector<16xi32>,
        %get3A_150 = arith.index_cast %div3A_144 : i32 to index
        %get3A_151 = arith.index_cast %mul3A_147 : i32 to index
        %get3A_152 = tpu.vector_load %arg11[%get3A_150, %get3A_151] {strides = array<i32>} : memref<125x80xi32, #tpu.memory_space<vmem>>, vector<16xi32>,
        %get3A_153 = arith.index_cast %div3A_144 : i32 to index
        %get3A_154 = arith.index_cast %mul3A_147 : i32 to index
        %get3A_155 = tpu.vector_load %arg12[%get3A_153, %get3A_154] {strides = array<i32>} : memref<125x80xf32, #tpu.memory_space<vmem>>, vector<16xf32>,
        %eq3A_156 = arith.cmpi eq, %get3A_149, %get3A_152 : vector<16xi32>
        %jit3A = arith.constant 0.000000e+00 : f32
        %broadcast_in_dim3A = vector.broadcast %jit3A : f32 to vector<16xf32>
        %select_n3A = arith.select %eq3A_156, %broadcast_in_dim3A, %get3A_155 : vector<16xi1>, vector<16xf32>
        %swap3A = arith.index_cast %div3A_144 : i32 to index
        %swap3A_157 = arith.index_cast %mul3A_147 : i32 to index
        %swap3A_158 = tpu.vector_load %arg12[%swap3A, %swap3A_157] {strides = array<i32>} : memref<125x80xf32, #tpu.memory_space<vmem>>, vector<16xf32>,
        tpu.vector_store %arg12[%swap3A, %swap3A_157], %select_n3A {strides = array<i32>} : memref<125x80xf32, #tpu.memory_space<vmem>>, vector<16xf32>,
        %scan3A_159 = arith.constant 0 : i32
        scf.yield %scan3A_159 : i32
      }
      %scan3A_133 = arith.constant 625 : i32
      %scan3A_134 = arith.constant 0 : i32
      %scan3A_135 = arith.constant 0 : i32
      %scan3A_136 = arith.constant 125 : i32
      %scan3A_137 = arith.addi %scan3A_135, %scan3A_136 : i32
      %scan3A_138 = arith.constant 1 : i32
      %scan3A_139 = scf.for %scan3A_142 = %scan3A_135 to %scan3A_137 step %scan3A_138 iter_args(%scan3A_143 = %scan3A_134) -> (i32)  : i32 {
        "tpu.region"() ({
          %run_scoped3A = tpu.sem_alloc : memref<!tpu.dma_semaphore, #tpu.memory_space<semaphore_mem>>
          %dma_start3A = arith.constant 0 : i32
          %dma_start3A_145 = tpu.memref_slice %arg12[%scan3A_142, %dma_start3A] : memref<125x80xf32, #tpu.memory_space<vmem>> -> memref<1x80xf32, #tpu.memory_space<vmem>>
          %dma_start3A_146 = tpu.memref_squeeze %dma_start3A_145 : memref<1x80xf32, #tpu.memory_space<vmem>> -> memref<80xf32, #tpu.memory_space<vmem>>
          %dma_start3A_147 = arith.constant 0 : i32
          %dma_start3A_148 = tpu.memref_slice %arg10[%scan3A_142, %dma_start3A_147] : memref<125x80xi32, #tpu.memory_space<vmem>> -> memref<1x80xi32, #tpu.memory_space<vmem>>
          %dma_start3A_149 = tpu.memref_squeeze %dma_start3A_148 : memref<1x80xi32, #tpu.memory_space<vmem>> -> memref<80xi32, #tpu.memory_space<vmem>>
          %dma_start3A_150 = arith.constant 0 : i32
          %dma_start3A_151 = tpu.memref_slice %arg16[%dma_start3A_150] : memref<10240xf32, #tpu.memory_space<vmem_shared>> -> memref<10240xf32, #tpu.memory_space<vmem_shared>>
          tpu.enqueue_indirect_dma source(%dma_start3A_146 : memref<80xf32, #tpu.memory_space<vmem>>) target(%dma_start3A_151 : memref<10240xf32, #tpu.memory_space<vmem_shared>>) offsets(%dma_start3A_149 : memref<80xi32, #tpu.memory_space<vmem>>) semaphore(%run_scoped3A : memref<!tpu.dma_semaphore, #tpu.memory_space<semaphore_mem>>) {add = true}
          %dma_wait3A = arith.constant 0 : i32
          %dma_wait3A_152 = tpu.memref_slice %arg12[%scan3A_142, %dma_wait3A] : memref<125x80xf32, #tpu.memory_space<vmem>> -> memref<1x80xf32, #tpu.memory_space<vmem>>
          %dma_wait3A_153 = tpu.memref_squeeze %dma_wait3A_152 : memref<1x80xf32, #tpu.memory_space<vmem>> -> memref<80xf32, #tpu.memory_space<vmem>>
          %dma_wait3A_154 = arith.constant 0 : i32
          %dma_wait3A_155 = tpu.memref_slice %arg10[%scan3A_142, %dma_wait3A_154] : memref<125x80xi32, #tpu.memory_space<vmem>> -> memref<1x80xi32, #tpu.memory_space<vmem>>
          %dma_wait3A_156 = tpu.memref_squeeze %dma_wait3A_155 : memref<1x80xi32, #tpu.memory_space<vmem>> -> memref<80xi32, #tpu.memory_space<vmem>>
          %dma_wait3A_157 = arith.constant 0 : i32
          %dma_wait3A_158 = tpu.memref_slice %arg16[%dma_wait3A_157] : memref<10240xf32, #tpu.memory_space<vmem_shared>> -> memref<10240xf32, #tpu.memory_space<vmem_shared>>
          tpu.wait_indirect_dma semaphore(%run_scoped3A : memref<!tpu.dma_semaphore, #tpu.memory_space<semaphore_mem>>) src(%dma_wait3A_153 : memref<80xf32, #tpu.memory_space<vmem>>) dst(%dma_wait3A_158 : memref<10240xf32, #tpu.memory_space<vmem_shared>>)
          tpu.yield
        }) : () -> ()
        %scan3A_144 = arith.constant 0 : i32
        scf.yield %scan3A_144 : i32
      }
      %scan3A_140 = arith.constant 125 : i32
      %scan3A_141 = arith.constant 0 : i32
      scf.yield %scan3A_141 : i32
    }
    %scan3A_99 = arith.constant 2 : i32
    %barrier3A_100 = arith.constant 0 : index
    tpu.barrier barrier_id(%barrier3A_100)
    "tpu.region"() ({
      %run_scoped3A = tpu.sem_alloc : memref<!tpu.dma_semaphore, #tpu.memory_space<semaphore_mem>>
      tpu.enqueue_dma source(%arg16 : memref<10240xf32, #tpu.memory_space<vmem_shared>>) target(%arg13 : memref<10240xf32, #tpu.memory_space<vmem>>) target_semaphore(%run_scoped3A : memref<!tpu.dma_semaphore, #tpu.memory_space<semaphore_mem>>)
      tpu.wait_dma2 semaphore(%run_scoped3A : memref<!tpu.dma_semaphore, #tpu.memory_space<semaphore_mem>>) src(%arg16 : memref<10240xf32, #tpu.memory_space<vmem_shared>>) dst(%arg13 : memref<10240xf32, #tpu.memory_space<vmem>>)
      tpu.yield
    }) : () -> ()
    %eq3A = arith.constant 0 : i32
    %eq3A_101 = arith.cmpi eq, %arg0, %eq3A : i32
    %convert_element_type3A = arith.extui %eq3A_101 : i1 to i32
    %cond3A = arith.constant 0 : i32
    %cond3A_102 = arith.cmpi ne, %convert_element_type3A, %cond3A : i32
    scf.if %cond3A_102 {
      %mul3A_122 = arith.constant 640 : i32
      %mul3A_123 = arith.muli %arg1, %mul3A_122 : i32
      %mul3A_124 = arith.constant 640 : i32
      %mul3A_125 = arith.muli %arg1, %mul3A_124 : i32
      "tpu.region"() ({
        %run_scoped3A = tpu.sem_alloc : memref<!tpu.dma_semaphore, #tpu.memory_space<semaphore_mem>>
        %dma_start3A = tpu.memref_slice %arg7[%mul3A_125] : memref<10240xf32, #tpu.memory_space<hbm>> -> memref<640xf32, #tpu.memory_space<hbm>>
        %dma_start3A_126 = tpu.memref_slice %arg16[%mul3A_123] : memref<10240xf32, #tpu.memory_space<vmem_shared>> -> memref<640xf32, #tpu.memory_space<vmem_shared>>
        tpu.enqueue_dma source(%dma_start3A_126 : memref<640xf32, #tpu.memory_space<vmem_shared>>) target(%dma_start3A : memref<640xf32, #tpu.memory_space<hbm>>) target_semaphore(%run_scoped3A : memref<!tpu.dma_semaphore, #tpu.memory_space<semaphore_mem>>)
        %dma_wait3A = tpu.memref_slice %arg7[%mul3A_125] : memref<10240xf32, #tpu.memory_space<hbm>> -> memref<640xf32, #tpu.memory_space<hbm>>
        %dma_wait3A_127 = tpu.memref_slice %arg16[%mul3A_123] : memref<10240xf32, #tpu.memory_space<vmem_shared>> -> memref<640xf32, #tpu.memory_space<vmem_shared>>
        tpu.wait_dma2 semaphore(%run_scoped3A : memref<!tpu.dma_semaphore, #tpu.memory_space<semaphore_mem>>) src(%dma_wait3A_127 : memref<640xf32, #tpu.memory_space<vmem_shared>>) dst(%dma_wait3A : memref<640xf32, #tpu.memory_space<hbm>>)
        tpu.yield
      }) : () -> ()
    } else {
    }
    %scan3A_103 = arith.constant 0 : i32
    %scan3A_104 = arith.constant 0 : i32
    %scan3A_105 = arith.constant 640 : i32
    %scan3A_106 = arith.addi %scan3A_104, %scan3A_105 : i32
    %scan3A_107 = arith.constant 1 : i32
    %scan3A_108 = scf.for %scan3A_122 = %scan3A_104 to %scan3A_106 step %scan3A_107 iter_args(%scan3A_123 = %scan3A_103) -> (i32)  : i32 {
      %mul3A_124 = arith.constant 16 : i32
      %mul3A_125 = arith.muli %scan3A_122, %mul3A_124 : i32
      %get3A = arith.index_cast %mul3A_125 : i32 to index
      %get3A_126 = tpu.vector_load %arg13[%get3A] {strides = array<i32>} : memref<10240xf32, #tpu.memory_space<vmem>>, vector<16xf32>,
      %bitcast_convert_type3A = tpu.bitcast %get3A_126 : vector<16xf32> -> vector<16xi32>
      %shift_right_logical3A = arith.constant 1 : i32
      %shift_right_logical3A_127 = vector.broadcast %shift_right_logical3A : i32 to vector<16xi32>
      %shift_right_logical3A_128 = arith.shrui %bitcast_convert_type3A, %shift_right_logical3A_127 : vector<16xi32>
      %sub3A = arith.constant 1597463007 : i32
      %sub3A_129 = vector.broadcast %sub3A : i32 to vector<16xi32>
      %sub3A_130 = arith.subi %sub3A_129, %shift_right_logical3A_128 : vector<16xi32>
      %bitcast_convert_type3A_131 = tpu.bitcast %sub3A_130 : vector<16xi32> -> vector<16xf32>
      %mul3A_132 = arith.constant 5.000000e-01 : f32
      %mul3A_133 = vector.broadcast %mul3A_132 : f32 to vector<16xf32>
      %mul3A_134 = arith.mulf %mul3A_133, %get3A_126 : vector<16xf32>
      %mul3A_135 = arith.mulf %mul3A_134, %bitcast_convert_type3A_131 : vector<16xf32>
      %mul3A_136 = arith.mulf %mul3A_135, %bitcast_convert_type3A_131 : vector<16xf32>
      %sub3A_137 = arith.constant 1.500000e+00 : f32
      %sub3A_138 = vector.broadcast %sub3A_137 : f32 to vector<16xf32>
      %sub3A_139 = arith.subf %sub3A_138, %mul3A_136 : vector<16xf32>
      %mul3A_140 = arith.mulf %bitcast_convert_type3A_131, %sub3A_139 : vector<16xf32>
      %mul3A_141 = arith.mulf %mul3A_134, %mul3A_140 : vector<16xf32>
      %mul3A_142 = arith.mulf %mul3A_141, %mul3A_140 : vector<16xf32>
      %sub3A_143 = arith.constant 1.500000e+00 : f32
      %sub3A_144 = vector.broadcast %sub3A_143 : f32 to vector<16xf32>
      %sub3A_145 = arith.subf %sub3A_144, %mul3A_142 : vector<16xf32>
      %mul3A_146 = arith.mulf %mul3A_140, %sub3A_145 : vector<16xf32>
      %mul3A_147 = arith.mulf %mul3A_134, %mul3A_146 : vector<16xf32>
      %mul3A_148 = arith.mulf %mul3A_147, %mul3A_146 : vector<16xf32>
      %sub3A_149 = arith.constant 1.500000e+00 : f32
      %sub3A_150 = vector.broadcast %sub3A_149 : f32 to vector<16xf32>
      %sub3A_151 = arith.subf %sub3A_150, %mul3A_148 : vector<16xf32>
      %mul3A_152 = arith.mulf %mul3A_146, %sub3A_151 : vector<16xf32>
      %gt3A = arith.constant 0.000000e+00 : f32
      %gt3A_153 = vector.broadcast %gt3A : f32 to vector<16xf32>
      %gt3A_154 = arith.cmpf ogt, %get3A_126, %gt3A_153 : vector<16xf32>
      %jit3A = arith.constant 0.000000e+00 : f32
      %broadcast_in_dim3A = vector.broadcast %jit3A : f32 to vector<16xf32>
      %select_n3A = arith.select %gt3A_154, %mul3A_152, %broadcast_in_dim3A : vector<16xi1>, vector<16xf32>
      %mul3A_155 = arith.constant 16 : i32
      %mul3A_156 = arith.muli %scan3A_122, %mul3A_155 : i32
      %swap3A = arith.index_cast %mul3A_156 : i32 to index
      %swap3A_157 = tpu.vector_load %arg13[%swap3A] {strides = array<i32>} : memref<10240xf32, #tpu.memory_space<vmem>>, vector<16xf32>,
      tpu.vector_store %arg13[%swap3A], %select_n3A {strides = array<i32>} : memref<10240xf32, #tpu.memory_space<vmem>>, vector<16xf32>,
      %scan3A_158 = arith.constant 0 : i32
      scf.yield %scan3A_158 : i32
    }
    %scan3A_109 = arith.constant 640 : i32
    %scan3A_110 = arith.constant 0 : i32
    %scan3A_111 = arith.constant 0 : i32
    %scan3A_112 = arith.constant 2 : i32
    %scan3A_113 = arith.addi %scan3A_111, %scan3A_112 : i32
    %scan3A_114 = arith.constant 1 : i32
    %scan3A_115 = scf.for %scan3A_122 = %scan3A_111 to %scan3A_113 step %scan3A_114 iter_args(%scan3A_123 = %scan3A_110) -> (i32)  : i32 {
      %mul3A_124 = arith.constant 2 : i32
      %mul3A_125 = arith.muli %arg1, %mul3A_124 : i32
      %add3A_126 = arith.addi %mul3A_125, %scan3A_122 : i32
      "tpu.region"() ({
        %run_scoped3A = tpu.sem_alloc : memref<!tpu.dma_semaphore, #tpu.memory_space<semaphore_mem>>
        %dma_start3A = arith.constant 0 : i32
        %dma_start3A_142 = arith.constant 0 : i32
        %dma_start3A_143 = tpu.memref_slice %arg3[%add3A_126, %dma_start3A, %dma_start3A_142] : memref<32x125x80xi32, #tpu.memory_space<hbm>> -> memref<1x125x80xi32, #tpu.memory_space<hbm>>
        %dma_start3A_144 = tpu.memref_squeeze %dma_start3A_143 : memref<1x125x80xi32, #tpu.memory_space<hbm>> -> memref<125x80xi32, #tpu.memory_space<hbm>>
        %dma_start3A_145 = arith.constant 0 : i32
        %dma_start3A_146 = arith.constant 0 : i32
        %dma_start3A_147 = tpu.memref_slice %arg3[%add3A_126, %dma_start3A_145, %dma_start3A_146] : memref<32x125x80xi32, #tpu.memory_space<hbm>> -> memref<1x125x80xi32, #tpu.memory_space<hbm>>
        %dma_start3A_148 = tpu.memref_squeeze %dma_start3A_147 : memref<1x125x80xi32, #tpu.memory_space<hbm>> -> memref<125x80xi32, #tpu.memory_space<hbm>>
        tpu.enqueue_dma source(%dma_start3A_148 : memref<125x80xi32, #tpu.memory_space<hbm>>) target(%arg10 : memref<125x80xi32, #tpu.memory_space<vmem>>) target_semaphore(%run_scoped3A : memref<!tpu.dma_semaphore, #tpu.memory_space<semaphore_mem>>)
        %dma_wait3A = arith.constant 0 : i32
        %dma_wait3A_149 = arith.constant 0 : i32
        %dma_wait3A_150 = tpu.memref_slice %arg3[%add3A_126, %dma_wait3A, %dma_wait3A_149] : memref<32x125x80xi32, #tpu.memory_space<hbm>> -> memref<1x125x80xi32, #tpu.memory_space<hbm>>
        %dma_wait3A_151 = tpu.memref_squeeze %dma_wait3A_150 : memref<1x125x80xi32, #tpu.memory_space<hbm>> -> memref<125x80xi32, #tpu.memory_space<hbm>>
        %dma_wait3A_152 = arith.constant 0 : i32
        %dma_wait3A_153 = arith.constant 0 : i32
        %dma_wait3A_154 = tpu.memref_slice %arg3[%add3A_126, %dma_wait3A_152, %dma_wait3A_153] : memref<32x125x80xi32, #tpu.memory_space<hbm>> -> memref<1x125x80xi32, #tpu.memory_space<hbm>>
        %dma_wait3A_155 = tpu.memref_squeeze %dma_wait3A_154 : memref<1x125x80xi32, #tpu.memory_space<hbm>> -> memref<125x80xi32, #tpu.memory_space<hbm>>
        tpu.wait_dma2 semaphore(%run_scoped3A : memref<!tpu.dma_semaphore, #tpu.memory_space<semaphore_mem>>) src(%dma_wait3A_155 : memref<125x80xi32, #tpu.memory_space<hbm>>) dst(%arg10 : memref<125x80xi32, #tpu.memory_space<vmem>>)
        tpu.yield
      }) : () -> ()
      "tpu.region"() ({
        %run_scoped3A = tpu.sem_alloc : memref<!tpu.dma_semaphore, #tpu.memory_space<semaphore_mem>>
        %dma_start3A = arith.constant 0 : i32
        %dma_start3A_142 = arith.constant 0 : i32
        %dma_start3A_143 = tpu.memref_slice %arg4[%add3A_126, %dma_start3A, %dma_start3A_142] : memref<32x125x80xi32, #tpu.memory_space<hbm>> -> memref<1x125x80xi32, #tpu.memory_space<hbm>>
        %dma_start3A_144 = tpu.memref_squeeze %dma_start3A_143 : memref<1x125x80xi32, #tpu.memory_space<hbm>> -> memref<125x80xi32, #tpu.memory_space<hbm>>
        %dma_start3A_145 = arith.constant 0 : i32
        %dma_start3A_146 = arith.constant 0 : i32
        %dma_start3A_147 = tpu.memref_slice %arg4[%add3A_126, %dma_start3A_145, %dma_start3A_146] : memref<32x125x80xi32, #tpu.memory_space<hbm>> -> memref<1x125x80xi32, #tpu.memory_space<hbm>>
        %dma_start3A_148 = tpu.memref_squeeze %dma_start3A_147 : memref<1x125x80xi32, #tpu.memory_space<hbm>> -> memref<125x80xi32, #tpu.memory_space<hbm>>
        tpu.enqueue_dma source(%dma_start3A_148 : memref<125x80xi32, #tpu.memory_space<hbm>>) target(%arg11 : memref<125x80xi32, #tpu.memory_space<vmem>>) target_semaphore(%run_scoped3A : memref<!tpu.dma_semaphore, #tpu.memory_space<semaphore_mem>>)
        %dma_wait3A = arith.constant 0 : i32
        %dma_wait3A_149 = arith.constant 0 : i32
        %dma_wait3A_150 = tpu.memref_slice %arg4[%add3A_126, %dma_wait3A, %dma_wait3A_149] : memref<32x125x80xi32, #tpu.memory_space<hbm>> -> memref<1x125x80xi32, #tpu.memory_space<hbm>>
        %dma_wait3A_151 = tpu.memref_squeeze %dma_wait3A_150 : memref<1x125x80xi32, #tpu.memory_space<hbm>> -> memref<125x80xi32, #tpu.memory_space<hbm>>
        %dma_wait3A_152 = arith.constant 0 : i32
        %dma_wait3A_153 = arith.constant 0 : i32
        %dma_wait3A_154 = tpu.memref_slice %arg4[%add3A_126, %dma_wait3A_152, %dma_wait3A_153] : memref<32x125x80xi32, #tpu.memory_space<hbm>> -> memref<1x125x80xi32, #tpu.memory_space<hbm>>
        %dma_wait3A_155 = tpu.memref_squeeze %dma_wait3A_154 : memref<1x125x80xi32, #tpu.memory_space<hbm>> -> memref<125x80xi32, #tpu.memory_space<hbm>>
        tpu.wait_dma2 semaphore(%run_scoped3A : memref<!tpu.dma_semaphore, #tpu.memory_space<semaphore_mem>>) src(%dma_wait3A_155 : memref<125x80xi32, #tpu.memory_space<hbm>>) dst(%arg11 : memref<125x80xi32, #tpu.memory_space<vmem>>)
        tpu.yield
      }) : () -> ()
      "tpu.region"() ({
        %run_scoped3A = tpu.sem_alloc : memref<!tpu.dma_semaphore, #tpu.memory_space<semaphore_mem>>
        %dma_start3A = arith.constant 0 : i32
        %dma_start3A_142 = arith.constant 0 : i32
        %dma_start3A_143 = tpu.memref_slice %arg5[%add3A_126, %dma_start3A, %dma_start3A_142] : memref<32x125x80xf32, #tpu.memory_space<hbm>> -> memref<1x125x80xf32, #tpu.memory_space<hbm>>
        %dma_start3A_144 = tpu.memref_squeeze %dma_start3A_143 : memref<1x125x80xf32, #tpu.memory_space<hbm>> -> memref<125x80xf32, #tpu.memory_space<hbm>>
        %dma_start3A_145 = arith.constant 0 : i32
        %dma_start3A_146 = arith.constant 0 : i32
        %dma_start3A_147 = tpu.memref_slice %arg5[%add3A_126, %dma_start3A_145, %dma_start3A_146] : memref<32x125x80xf32, #tpu.memory_space<hbm>> -> memref<1x125x80xf32, #tpu.memory_space<hbm>>
        %dma_start3A_148 = tpu.memref_squeeze %dma_start3A_147 : memref<1x125x80xf32, #tpu.memory_space<hbm>> -> memref<125x80xf32, #tpu.memory_space<hbm>>
        tpu.enqueue_dma source(%dma_start3A_148 : memref<125x80xf32, #tpu.memory_space<hbm>>) target(%arg12 : memref<125x80xf32, #tpu.memory_space<vmem>>) target_semaphore(%run_scoped3A : memref<!tpu.dma_semaphore, #tpu.memory_space<semaphore_mem>>)
        %dma_wait3A = arith.constant 0 : i32
        %dma_wait3A_149 = arith.constant 0 : i32
        %dma_wait3A_150 = tpu.memref_slice %arg5[%add3A_126, %dma_wait3A, %dma_wait3A_149] : memref<32x125x80xf32, #tpu.memory_space<hbm>> -> memref<1x125x80xf32, #tpu.memory_space<hbm>>
        %dma_wait3A_151 = tpu.memref_squeeze %dma_wait3A_150 : memref<1x125x80xf32, #tpu.memory_space<hbm>> -> memref<125x80xf32, #tpu.memory_space<hbm>>
        %dma_wait3A_152 = arith.constant 0 : i32
        %dma_wait3A_153 = arith.constant 0 : i32
        %dma_wait3A_154 = tpu.memref_slice %arg5[%add3A_126, %dma_wait3A_152, %dma_wait3A_153] : memref<32x125x80xf32, #tpu.memory_space<hbm>> -> memref<1x125x80xf32, #tpu.memory_space<hbm>>
        %dma_wait3A_155 = tpu.memref_squeeze %dma_wait3A_154 : memref<1x125x80xf32, #tpu.memory_space<hbm>> -> memref<125x80xf32, #tpu.memory_space<hbm>>
        tpu.wait_dma2 semaphore(%run_scoped3A : memref<!tpu.dma_semaphore, #tpu.memory_space<semaphore_mem>>) src(%dma_wait3A_155 : memref<125x80xf32, #tpu.memory_space<hbm>>) dst(%arg12 : memref<125x80xf32, #tpu.memory_space<vmem>>)
        tpu.yield
      }) : () -> ()
      %scan3A_127 = arith.constant 0 : i32
      %scan3A_128 = arith.constant 0 : i32
      %scan3A_129 = arith.constant 625 : i32
      %scan3A_130 = arith.addi %scan3A_128, %scan3A_129 : i32
      %scan3A_131 = arith.constant 1 : i32
      %scan3A_132 = scf.for %scan3A_142 = %scan3A_128 to %scan3A_130 step %scan3A_131 iter_args(%scan3A_143 = %scan3A_127) -> (i32)  : i32 {
        %div3A = arith.constant 5 : i32
        %div3A_144 = arith.divsi %scan3A_142, %div3A : i32
        %rem3A = arith.constant 5 : i32
        %rem3A_145 = arith.remsi %scan3A_142, %rem3A : i32
        %mul3A_146 = arith.constant 16 : i32
        %mul3A_147 = arith.muli %rem3A_145, %mul3A_146 : i32
        %get3A = arith.index_cast %div3A_144 : i32 to index
        %get3A_148 = arith.index_cast %mul3A_147 : i32 to index
        %get3A_149 = tpu.vector_load %arg10[%get3A, %get3A_148] {strides = array<i32>} : memref<125x80xi32, #tpu.memory_space<vmem>>, vector<16xi32>,
        %get3A_150 = arith.index_cast %div3A_144 : i32 to index
        %get3A_151 = arith.index_cast %mul3A_147 : i32 to index
        %get3A_152 = tpu.vector_load %arg11[%get3A_150, %get3A_151] {strides = array<i32>} : memref<125x80xi32, #tpu.memory_space<vmem>>, vector<16xi32>,
        %get3A_153 = arith.index_cast %div3A_144 : i32 to index
        %get3A_154 = arith.index_cast %mul3A_147 : i32 to index
        %get3A_155 = tpu.vector_load %arg12[%get3A_153, %get3A_154] {strides = array<i32>} : memref<125x80xf32, #tpu.memory_space<vmem>>, vector<16xf32>,
        %gather3A = tpu.vector_load_idx %arg13[%get3A_149] : memref<10240xf32, #tpu.memory_space<vmem>>[vector<16xi32>], vector<16xf32>,
        %eq3A_156 = arith.cmpi eq, %get3A_149, %get3A_152 : vector<16xi32>
        %jit3A = arith.constant 0.000000e+00 : f32
        %broadcast_in_dim3A = vector.broadcast %jit3A : f32 to vector<16xf32>
        %select_n3A = arith.select %eq3A_156, %broadcast_in_dim3A, %get3A_155 : vector<16xi1>, vector<16xf32>
        %mul3A_157 = arith.mulf %select_n3A, %gather3A : vector<16xf32>
        %swap3A = arith.index_cast %div3A_144 : i32 to index
        %swap3A_158 = arith.index_cast %mul3A_147 : i32 to index
        %swap3A_159 = tpu.vector_load %arg12[%swap3A, %swap3A_158] {strides = array<i32>} : memref<125x80xf32, #tpu.memory_space<vmem>>, vector<16xf32>,
        tpu.vector_store %arg12[%swap3A, %swap3A_158], %mul3A_157 {strides = array<i32>} : memref<125x80xf32, #tpu.memory_space<vmem>>, vector<16xf32>,
        %scan3A_160 = arith.constant 0 : i32
        scf.yield %scan3A_160 : i32
      }
      %scan3A_133 = arith.constant 625 : i32
      %scan3A_134 = arith.constant 0 : i32
      %scan3A_135 = arith.constant 0 : i32
      %scan3A_136 = arith.constant 125 : i32
      %scan3A_137 = arith.addi %scan3A_135, %scan3A_136 : i32
      %scan3A_138 = arith.constant 1 : i32
      %scan3A_139 = scf.for %scan3A_142 = %scan3A_135 to %scan3A_137 step %scan3A_138 iter_args(%scan3A_143 = %scan3A_134) -> (i32)  : i32 {
        %dma_start3A = arith.constant 0 : i32
        %dma_start3A_144 = tpu.memref_slice %arg10[%scan3A_142, %dma_start3A] : memref<125x80xi32, #tpu.memory_space<vmem>> -> memref<1x80xi32, #tpu.memory_space<vmem>>
        %dma_start3A_145 = tpu.memref_squeeze %dma_start3A_144 : memref<1x80xi32, #tpu.memory_space<vmem>> -> memref<80xi32, #tpu.memory_space<vmem>>
        %dma_start3A_146 = arith.constant 0 : i32
        %dma_start3A_147 = arith.constant 0 : i32
        %dma_start3A_148 = tpu.memref_slice %arg2[%arg0, %dma_start3A_146, %dma_start3A_147] : memref<2x10000x64xf32, #tpu.memory_space<hbm>> -> memref<1x10000x64xf32, #tpu.memory_space<hbm>>
        %dma_start3A_149 = tpu.memref_squeeze %dma_start3A_148 : memref<1x10000x64xf32, #tpu.memory_space<hbm>> -> memref<10000x64xf32, #tpu.memory_space<hbm>>
        %dma_start3A_150 = arith.constant 0 : i32
        %dma_start3A_151 = arith.constant 0 : i32
        %dma_start3A_152 = tpu.memref_slice %dma_start3A_149[%dma_start3A_150, %dma_start3A_151] : memref<10000x64xf32, #tpu.memory_space<hbm>> -> memref<10000x64xf32, #tpu.memory_space<hbm>>
        tpu.enqueue_indirect_dma source(%dma_start3A_152 : memref<10000x64xf32, #tpu.memory_space<hbm>>) target(%arg14 : memref<80x64xf32, #tpu.memory_space<vmem>>) offsets(%dma_start3A_145 : memref<80xi32, #tpu.memory_space<vmem>>) semaphore(%arg17 : memref<!tpu.dma_semaphore, #tpu.memory_space<semaphore_mem>>)
        %dma_wait3A = arith.constant 0 : i32
        %dma_wait3A_153 = tpu.memref_slice %arg10[%scan3A_142, %dma_wait3A] : memref<125x80xi32, #tpu.memory_space<vmem>> -> memref<1x80xi32, #tpu.memory_space<vmem>>
        %dma_wait3A_154 = tpu.memref_squeeze %dma_wait3A_153 : memref<1x80xi32, #tpu.memory_space<vmem>> -> memref<80xi32, #tpu.memory_space<vmem>>
        %dma_wait3A_155 = arith.constant 0 : i32
        %dma_wait3A_156 = arith.constant 0 : i32
        %dma_wait3A_157 = tpu.memref_slice %arg2[%arg0, %dma_wait3A_155, %dma_wait3A_156] : memref<2x10000x64xf32, #tpu.memory_space<hbm>> -> memref<1x10000x64xf32, #tpu.memory_space<hbm>>
        %dma_wait3A_158 = tpu.memref_squeeze %dma_wait3A_157 : memref<1x10000x64xf32, #tpu.memory_space<hbm>> -> memref<10000x64xf32, #tpu.memory_space<hbm>>
        %dma_wait3A_159 = arith.constant 0 : i32
        %dma_wait3A_160 = arith.constant 0 : i32
        %dma_wait3A_161 = tpu.memref_slice %dma_wait3A_158[%dma_wait3A_159, %dma_wait3A_160] : memref<10000x64xf32, #tpu.memory_space<hbm>> -> memref<10000x64xf32, #tpu.memory_space<hbm>>
        tpu.wait_indirect_dma semaphore(%arg17 : memref<!tpu.dma_semaphore, #tpu.memory_space<semaphore_mem>>) src(%dma_wait3A_161 : memref<10000x64xf32, #tpu.memory_space<hbm>>) dst(%arg14 : memref<80x64xf32, #tpu.memory_space<vmem>>)
        %scan3A_162 = arith.constant 0 : i32
        %scan3A_163 = arith.constant 0 : i32
        %scan3A_164 = arith.constant 80 : i32
        %scan3A_165 = arith.addi %scan3A_163, %scan3A_164 : i32
        %scan3A_166 = arith.constant 1 : i32
        %scan3A_167 = scf.for %scan3A_170 = %scan3A_163 to %scan3A_165 step %scan3A_166 iter_args(%scan3A_171 = %scan3A_162) -> (i32)  : i32 {
          %broadcast_in_dim3A = arith.constant 0 : i32
          %broadcast_in_dim3A_172 = vector.broadcast %broadcast_in_dim3A : i32 to vector<16xi32>
          %add3A_173 = vector.broadcast %scan3A_142 : i32 to vector<16xi32>
          %add3A_174 = arith.addi %broadcast_in_dim3A_172, %add3A_173 : vector<16xi32>
          %add3A_175 = vector.broadcast %scan3A_170 : i32 to vector<16xi32>
          %add3A_176 = arith.addi %broadcast_in_dim3A_172, %add3A_175 : vector<16xi32>
          %gather3A = tpu.vector_load_idx %arg12[%add3A_174, %add3A_176] : memref<125x80xf32, #tpu.memory_space<vmem>>[vector<16xi32>, vector<16xi32>], vector<16xf32>,
          %get3A = arith.index_cast %scan3A_170 : i32 to index
          %get3A_177 = arith.constant 0 : index
          %get3A_178 = tpu.vector_load %arg14[%get3A, %get3A_177] {strides = array<i32>} : memref<80x64xf32, #tpu.memory_space<vmem>>, vector<16xf32>,
          %mul3A_179 = arith.mulf %get3A_178, %gather3A : vector<16xf32>
          %swap3A = arith.index_cast %scan3A_170 : i32 to index
          %swap3A_180 = arith.constant 0 : index
          %swap3A_181 = tpu.vector_load %arg14[%swap3A, %swap3A_180] {strides = array<i32>} : memref<80x64xf32, #tpu.memory_space<vmem>>, vector<16xf32>,
          tpu.vector_store %arg14[%swap3A, %swap3A_180], %mul3A_179 {strides = array<i32>} : memref<80x64xf32, #tpu.memory_space<vmem>>, vector<16xf32>,
          %get3A_182 = arith.index_cast %scan3A_170 : i32 to index
          %get3A_183 = arith.constant 16 : index
          %get3A_184 = tpu.vector_load %arg14[%get3A_182, %get3A_183] {strides = array<i32>} : memref<80x64xf32, #tpu.memory_space<vmem>>, vector<16xf32>,
          %mul3A_185 = arith.mulf %get3A_184, %gather3A : vector<16xf32>
          %swap3A_186 = arith.index_cast %scan3A_170 : i32 to index
          %swap3A_187 = arith.constant 16 : index
          %swap3A_188 = tpu.vector_load %arg14[%swap3A_186, %swap3A_187] {strides = array<i32>} : memref<80x64xf32, #tpu.memory_space<vmem>>, vector<16xf32>,
          tpu.vector_store %arg14[%swap3A_186, %swap3A_187], %mul3A_185 {strides = array<i32>} : memref<80x64xf32, #tpu.memory_space<vmem>>, vector<16xf32>,
          %get3A_189 = arith.index_cast %scan3A_170 : i32 to index
          %get3A_190 = arith.constant 32 : index
          %get3A_191 = tpu.vector_load %arg14[%get3A_189, %get3A_190] {strides = array<i32>} : memref<80x64xf32, #tpu.memory_space<vmem>>, vector<16xf32>,
          %mul3A_192 = arith.mulf %get3A_191, %gather3A : vector<16xf32>
          %swap3A_193 = arith.index_cast %scan3A_170 : i32 to index
          %swap3A_194 = arith.constant 32 : index
          %swap3A_195 = tpu.vector_load %arg14[%swap3A_193, %swap3A_194] {strides = array<i32>} : memref<80x64xf32, #tpu.memory_space<vmem>>, vector<16xf32>,
          tpu.vector_store %arg14[%swap3A_193, %swap3A_194], %mul3A_192 {strides = array<i32>} : memref<80x64xf32, #tpu.memory_space<vmem>>, vector<16xf32>,
          %get3A_196 = arith.index_cast %scan3A_170 : i32 to index
          %get3A_197 = arith.constant 48 : index
          %get3A_198 = tpu.vector_load %arg14[%get3A_196, %get3A_197] {strides = array<i32>} : memref<80x64xf32, #tpu.memory_space<vmem>>, vector<16xf32>,
          %mul3A_199 = arith.mulf %get3A_198, %gather3A : vector<16xf32>
          %swap3A_200 = arith.index_cast %scan3A_170 : i32 to index
          %swap3A_201 = arith.constant 48 : index
          %swap3A_202 = tpu.vector_load %arg14[%swap3A_200, %swap3A_201] {strides = array<i32>} : memref<80x64xf32, #tpu.memory_space<vmem>>, vector<16xf32>,
          tpu.vector_store %arg14[%swap3A_200, %swap3A_201], %mul3A_199 {strides = array<i32>} : memref<80x64xf32, #tpu.memory_space<vmem>>, vector<16xf32>,
          %scan3A_203 = arith.constant 0 : i32
          scf.yield %scan3A_203 : i32
        }
        %scan3A_168 = arith.constant 80 : i32
        "tpu.region"() ({
          %run_scoped3A = tpu.sem_alloc : memref<!tpu.dma_semaphore, #tpu.memory_space<semaphore_mem>>
          %dma_start3A_170 = arith.constant 0 : i32
          %dma_start3A_171 = tpu.memref_slice %arg11[%scan3A_142, %dma_start3A_170] : memref<125x80xi32, #tpu.memory_space<vmem>> -> memref<1x80xi32, #tpu.memory_space<vmem>>
          %dma_start3A_172 = tpu.memref_squeeze %dma_start3A_171 : memref<1x80xi32, #tpu.memory_space<vmem>> -> memref<80xi32, #tpu.memory_space<vmem>>
          %dma_start3A_173 = arith.constant 0 : i32
          %dma_start3A_174 = arith.constant 0 : i32
          %dma_start3A_175 = tpu.memref_slice %arg15[%dma_start3A_173, %dma_start3A_174] : memref<10240x64xf32, #tpu.memory_space<vmem_shared>> -> memref<10240x64xf32, #tpu.memory_space<vmem_shared>>
          tpu.enqueue_indirect_dma source(%arg14 : memref<80x64xf32, #tpu.memory_space<vmem>>) target(%dma_start3A_175 : memref<10240x64xf32, #tpu.memory_space<vmem_shared>>) offsets(%dma_start3A_172 : memref<80xi32, #tpu.memory_space<vmem>>) semaphore(%run_scoped3A : memref<!tpu.dma_semaphore, #tpu.memory_space<semaphore_mem>>) {add = true}
          %dma_wait3A_176 = arith.constant 0 : i32
          %dma_wait3A_177 = tpu.memref_slice %arg11[%scan3A_142, %dma_wait3A_176] : memref<125x80xi32, #tpu.memory_space<vmem>> -> memref<1x80xi32, #tpu.memory_space<vmem>>
          %dma_wait3A_178 = tpu.memref_squeeze %dma_wait3A_177 : memref<1x80xi32, #tpu.memory_space<vmem>> -> memref<80xi32, #tpu.memory_space<vmem>>
          %dma_wait3A_179 = arith.constant 0 : i32
          %dma_wait3A_180 = arith.constant 0 : i32
          %dma_wait3A_181 = tpu.memref_slice %arg15[%dma_wait3A_179, %dma_wait3A_180] : memref<10240x64xf32, #tpu.memory_space<vmem_shared>> -> memref<10240x64xf32, #tpu.memory_space<vmem_shared>>
          tpu.wait_indirect_dma semaphore(%run_scoped3A : memref<!tpu.dma_semaphore, #tpu.memory_space<semaphore_mem>>) src(%arg14 : memref<80x64xf32, #tpu.memory_space<vmem>>) dst(%dma_wait3A_181 : memref<10240x64xf32, #tpu.memory_space<vmem_shared>>)
          tpu.yield
        }) : () -> ()
        %scan3A_169 = arith.constant 0 : i32
        scf.yield %scan3A_169 : i32
      }
      %scan3A_140 = arith.constant 125 : i32
      %scan3A_141 = arith.constant 0 : i32
      scf.yield %scan3A_141 : i32
    }
    %scan3A_116 = arith.constant 2 : i32
    %barrier3A_117 = arith.constant 0 : index
    tpu.barrier barrier_id(%barrier3A_117)
    %mul3A_118 = arith.constant 640 : i32
    %mul3A_119 = arith.muli %arg1, %mul3A_118 : i32
    %mul3A_120 = arith.constant 640 : i32
    %mul3A_121 = arith.muli %arg1, %mul3A_120 : i32
    "tpu.region"() ({
      %run_scoped3A = tpu.sem_alloc : memref<!tpu.dma_semaphore, #tpu.memory_space<semaphore_mem>>
      %dma_start3A = arith.constant 0 : i32
      %dma_start3A_122 = tpu.memref_slice %arg6[%arg0, %mul3A_121, %dma_start3A] : memref<2x10240x64xf32, #tpu.memory_space<hbm>> -> memref<1x640x64xf32, #tpu.memory_space<hbm>>
      %dma_start3A_123 = tpu.memref_squeeze %dma_start3A_122 : memref<1x640x64xf32, #tpu.memory_space<hbm>> -> memref<640x64xf32, #tpu.memory_space<hbm>>
      %dma_start3A_124 = arith.constant 0 : i32
      %dma_start3A_125 = tpu.memref_slice %arg15[%mul3A_119, %dma_start3A_124] : memref<10240x64xf32, #tpu.memory_space<vmem_shared>> -> memref<640x64xf32, #tpu.memory_space<vmem_shared>>
      tpu.enqueue_dma source(%dma_start3A_125 : memref<640x64xf32, #tpu.memory_space<vmem_shared>>) target(%dma_start3A_123 : memref<640x64xf32, #tpu.memory_space<hbm>>) target_semaphore(%run_scoped3A : memref<!tpu.dma_semaphore, #tpu.memory_space<semaphore_mem>>)
      %dma_wait3A = arith.constant 0 : i32
      %dma_wait3A_126 = tpu.memref_slice %arg6[%arg0, %mul3A_121, %dma_wait3A] : memref<2x10240x64xf32, #tpu.memory_space<hbm>> -> memref<1x640x64xf32, #tpu.memory_space<hbm>>
      %dma_wait3A_127 = tpu.memref_squeeze %dma_wait3A_126 : memref<1x640x64xf32, #tpu.memory_space<hbm>> -> memref<640x64xf32, #tpu.memory_space<hbm>>
      %dma_wait3A_128 = arith.constant 0 : i32
      %dma_wait3A_129 = tpu.memref_slice %arg15[%mul3A_119, %dma_wait3A_128] : memref<10240x64xf32, #tpu.memory_space<vmem_shared>> -> memref<640x64xf32, #tpu.memory_space<vmem_shared>>
      tpu.wait_dma2 semaphore(%run_scoped3A : memref<!tpu.dma_semaphore, #tpu.memory_space<semaphore_mem>>) src(%dma_wait3A_129 : memref<640x64xf32, #tpu.memory_space<vmem_shared>>) dst(%dma_wait3A_127 : memref<640x64xf32, #tpu.memory_space<hbm>>)
      tpu.yield
    }) : () -> ()
    return
  }
}

module attributes {stable_mosaic.version = 14 : i64} {
  func.func @_tc_dense(%arg0: i32, %arg1: memref<1000x128xf32, #tpu.memory_space<vmem>>, %arg2: memref<1000x64xf32, #tpu.memory_space<vmem>>, %arg3: memref<1000x64xf32, #tpu.memory_space<vmem>>, %arg4: memref<1000x1xf32, #tpu.memory_space<vmem>>, %arg5: memref<128x256xf32, #tpu.memory_space<vmem>>, %arg6: memref<64x256xf32, #tpu.memory_space<vmem>>, %arg7: memref<64x256xf32, #tpu.memory_space<vmem>>, %arg8: memref<1x256xf32, #tpu.memory_space<vmem>>, %arg9: memref<128x128xf32, #tpu.memory_space<vmem>>, %arg10: memref<1x128xf32, #tpu.memory_space<vmem>>, %arg11: memref<1000x128xf32, #tpu.memory_space<vmem>>) attributes {dimension_semantics = [#tpu.dimension_semantics<arbitrary>], iteration_bounds = array<i64: 10>, scalar_prefetch = 0 : i64, scratch_operands = 0 : i64, tpu.core_type = #tpu.core_type<tc>, window_params = [{transform_indices = @transform_0, window_bounds = array<i64: 1000, 128>}, {transform_indices = @transform_1, window_bounds = array<i64: 1000, 64>}, {transform_indices = @transform_2, window_bounds = array<i64: 1000, 64>}, {transform_indices = @transform_3, window_bounds = array<i64: 1000, 1>}, {pipeline_mode = #tpu.pipeline_mode<synchronous>, transform_indices = @transform_4, window_bounds = array<i64: 128, 256>}, {pipeline_mode = #tpu.pipeline_mode<synchronous>, transform_indices = @transform_5, window_bounds = array<i64: 64, 256>}, {pipeline_mode = #tpu.pipeline_mode<synchronous>, transform_indices = @transform_6, window_bounds = array<i64: 64, 256>}, {pipeline_mode = #tpu.pipeline_mode<synchronous>, transform_indices = @transform_7, window_bounds = array<i64: 1, 256>}, {pipeline_mode = #tpu.pipeline_mode<synchronous>, transform_indices = @transform_8, window_bounds = array<i64: 128, 128>}, {pipeline_mode = #tpu.pipeline_mode<synchronous>, transform_indices = @transform_9, window_bounds = array<i64: 1, 128>}, {transform_indices = @transform_10, window_bounds = array<i64: 1000, 128>}]} {
    %get3A = arith.constant 0 : index
    %get3A_0 = arith.constant 0 : index
    %get3A_1 = vector.load %arg4[%get3A, %get3A_0] : memref<1000x1xf32, #tpu.memory_space<vmem>>, vector<1000x1xf32>
    %gt3A = arith.constant 0.000000e+00 : f32
    %gt3A_2 = vector.broadcast %gt3A : f32 to vector<1000x1xf32>
    %gt3A_3 = arith.cmpf ogt, %get3A_1, %gt3A_2 : vector<1000x1xf32>
    %rsqrt3A = math.rsqrt %get3A_1 : vector<1000x1xf32>
    %jit3A = arith.constant 0.000000e+00 : f32
    %broadcast_in_dim3A = vector.broadcast %jit3A : f32 to vector<1000x1xf32>
    %select_n3A = arith.select %gt3A_3, %rsqrt3A, %broadcast_in_dim3A : vector<1000x1xi1>, vector<1000x1xf32>
    %get3A_4 = arith.constant 0 : index
    %get3A_5 = arith.constant 0 : index
    %get3A_6 = vector.load %arg1[%get3A_4, %get3A_5] : memref<1000x128xf32, #tpu.memory_space<vmem>>, vector<1000x128xf32>
    %get3A_7 = arith.constant 0 : index
    %get3A_8 = arith.constant 0 : index
    %get3A_9 = vector.load %arg5[%get3A_7, %get3A_8] : memref<128x256xf32, #tpu.memory_space<vmem>>, vector<128x256xf32>
    %dot_general3A = arith.constant dense<0.000000e+00> : vector<1000x256xf32>
    %dot_general3A_10 = tpu.matmul %get3A_6, %get3A_9, %dot_general3A {dimension_numbers = #tpu.dot_dimension_numbers<[1], [0], [0], [1], [0, 0, 1, 1], [], []>, transpose_lhs_hint = false} : vector<1000x128xf32>, vector<128x256xf32>, vector<1000x256xf32> -> vector<1000x256xf32>
    %get3A_11 = arith.constant 0 : index
    %get3A_12 = arith.constant 0 : index
    %get3A_13 = vector.load %arg2[%get3A_11, %get3A_12] : memref<1000x64xf32, #tpu.memory_space<vmem>>, vector<1000x64xf32>
    %neg3A = arith.constant 0.000000e+00 : f32
    %neg3A_14 = vector.broadcast %neg3A : f32 to vector<1000x1xf32>
    %neg3A_15 = arith.subf %neg3A_14, %select_n3A : vector<1000x1xf32>
    %mul3A = vector.broadcast %neg3A_15 : vector<1000x1xf32> to vector<1000x64xf32>
    %mul3A_16 = arith.mulf %get3A_13, %mul3A : vector<1000x64xf32>
    %get3A_17 = arith.constant 0 : index
    %get3A_18 = arith.constant 0 : index
    %get3A_19 = vector.load %arg6[%get3A_17, %get3A_18] : memref<64x256xf32, #tpu.memory_space<vmem>>, vector<64x256xf32>
    %dot_general3A_20 = arith.constant dense<0.000000e+00> : vector<1000x256xf32>
    %dot_general3A_21 = tpu.matmul %mul3A_16, %get3A_19, %dot_general3A_20 {dimension_numbers = #tpu.dot_dimension_numbers<[1], [0], [0], [1], [0, 0, 1, 1], [], []>, transpose_lhs_hint = false} : vector<1000x64xf32>, vector<64x256xf32>, vector<1000x256xf32> -> vector<1000x256xf32>
    %add3A = arith.addf %dot_general3A_10, %dot_general3A_21 : vector<1000x256xf32>
    %get3A_22 = arith.constant 0 : index
    %get3A_23 = arith.constant 0 : index
    %get3A_24 = vector.load %arg3[%get3A_22, %get3A_23] : memref<1000x64xf32, #tpu.memory_space<vmem>>, vector<1000x64xf32>
    %neg3A_25 = arith.constant 0.000000e+00 : f32
    %neg3A_26 = vector.broadcast %neg3A_25 : f32 to vector<1000x1xf32>
    %neg3A_27 = arith.subf %neg3A_26, %select_n3A : vector<1000x1xf32>
    %mul3A_28 = vector.broadcast %neg3A_27 : vector<1000x1xf32> to vector<1000x64xf32>
    %mul3A_29 = arith.mulf %get3A_24, %mul3A_28 : vector<1000x64xf32>
    %get3A_30 = arith.constant 0 : index
    %get3A_31 = arith.constant 0 : index
    %get3A_32 = vector.load %arg7[%get3A_30, %get3A_31] : memref<64x256xf32, #tpu.memory_space<vmem>>, vector<64x256xf32>
    %dot_general3A_33 = arith.constant dense<0.000000e+00> : vector<1000x256xf32>
    %dot_general3A_34 = tpu.matmul %mul3A_29, %get3A_32, %dot_general3A_33 {dimension_numbers = #tpu.dot_dimension_numbers<[1], [0], [0], [1], [0, 0, 1, 1], [], []>, transpose_lhs_hint = false} : vector<1000x64xf32>, vector<64x256xf32>, vector<1000x256xf32> -> vector<1000x256xf32>
    %add3A_35 = arith.addf %add3A, %dot_general3A_34 : vector<1000x256xf32>
    %get3A_36 = arith.constant 0 : index
    %get3A_37 = arith.constant 0 : index
    %get3A_38 = vector.load %arg8[%get3A_36, %get3A_37] : memref<1x256xf32, #tpu.memory_space<vmem>>, vector<1x256xf32>
    %add3A_39 = vector.broadcast %get3A_38 : vector<1x256xf32> to vector<1000x256xf32>
    %add3A_40 = arith.addf %add3A_35, %add3A_39 : vector<1000x256xf32>
    %slice3A = vector.extract_strided_slice %add3A_40 {offsets = [0, 0], sizes = [1000, 128], strides = [1, 1]} : vector<1000x256xf32> to vector<1000x128xf32>
    %logistic3A = arith.negf %slice3A : vector<1000x128xf32>
    %logistic3A_41 = math.exp %logistic3A : vector<1000x128xf32>
    %logistic3A_42 = arith.constant 1.000000e+00 : f32
    %logistic3A_43 = vector.broadcast %logistic3A_42 : f32 to vector<1000x128xf32>
    %logistic3A_44 = arith.addf %logistic3A_43, %logistic3A_41 : vector<1000x128xf32>
    %logistic3A_45 = arith.divf %logistic3A_43, %logistic3A_44 : vector<1000x128xf32>
    %slice3A_46 = vector.extract_strided_slice %add3A_40 {offsets = [0, 128], sizes = [1000, 128], strides = [1, 1]} : vector<1000x256xf32> to vector<1000x128xf32>
    %tanh3A = math.tanh %slice3A_46 : vector<1000x128xf32>
    %sub3A = arith.constant 1.000000e+00 : f32
    %sub3A_47 = vector.broadcast %sub3A : f32 to vector<1000x128xf32>
    %sub3A_48 = arith.subf %sub3A_47, %logistic3A_45 : vector<1000x128xf32>
    %mul3A_49 = arith.mulf %sub3A_48, %tanh3A : vector<1000x128xf32>
    %max3A = arith.constant 0.000000e+00 : f32
    %max3A_50 = vector.broadcast %max3A : f32 to vector<1000x128xf32>
    %max3A_51 = arith.maximumf %mul3A_49, %max3A_50 : vector<1000x128xf32>
    %get3A_52 = arith.constant 0 : index
    %get3A_53 = arith.constant 0 : index
    %get3A_54 = vector.load %arg9[%get3A_52, %get3A_53] : memref<128x128xf32, #tpu.memory_space<vmem>>, vector<128x128xf32>
    %dot_general3A_55 = arith.constant dense<0.000000e+00> : vector<1000x128xf32>
    %dot_general3A_56 = tpu.matmul %max3A_51, %get3A_54, %dot_general3A_55 {dimension_numbers = #tpu.dot_dimension_numbers<[1], [0], [0], [1], [0, 0, 1, 1], [], []>, transpose_lhs_hint = false} : vector<1000x128xf32>, vector<128x128xf32>, vector<1000x128xf32> -> vector<1000x128xf32>
    %get3A_57 = arith.constant 0 : index
    %get3A_58 = arith.constant 0 : index
    %get3A_59 = vector.load %arg10[%get3A_57, %get3A_58] : memref<1x128xf32, #tpu.memory_space<vmem>>, vector<1x128xf32>
    %add3A_60 = vector.broadcast %get3A_59 : vector<1x128xf32> to vector<1000x128xf32>
    %add3A_61 = arith.addf %dot_general3A_56, %add3A_60 : vector<1000x128xf32>
    %swap3A = arith.constant 0 : index
    %swap3A_62 = arith.constant 0 : index
    %swap3A_63 = vector.load %arg11[%swap3A, %swap3A_62] : memref<1000x128xf32, #tpu.memory_space<vmem>>, vector<1000x128xf32>
    tpu.vector_store %arg11[%swap3A, %swap3A_62], %add3A_61 {strides = array<i32>} : memref<1000x128xf32, #tpu.memory_space<vmem>>, vector<1000x128xf32>,
    return
  }
  func.func @transform_0(%arg0: i32) -> (i32, i32) {
    %c0_i32 = arith.constant 0 : i32
    %c0_i32_0 = arith.constant 0 : i32
    return %arg0, %c0_i32 : i32, i32
  }
  func.func @transform_1(%arg0: i32) -> (i32, i32) {
    %c0_i32 = arith.constant 0 : i32
    %c0_i32_0 = arith.constant 0 : i32
    return %arg0, %c0_i32 : i32, i32
  }
  func.func @transform_2(%arg0: i32) -> (i32, i32) {
    %c0_i32 = arith.constant 0 : i32
    %c0_i32_0 = arith.constant 0 : i32
    return %arg0, %c0_i32 : i32, i32
  }
  func.func @transform_3(%arg0: i32) -> (i32, i32) {
    %c0_i32 = arith.constant 0 : i32
    %c0_i32_0 = arith.constant 0 : i32
    return %arg0, %c0_i32 : i32, i32
  }
  func.func @transform_4(%arg0: i32) -> (i32, i32) {
    %c0_i32 = arith.constant 0 : i32
    %c0_i32_0 = arith.constant 0 : i32
    %c0_i32_1 = arith.constant 0 : i32
    return %c0_i32, %c0_i32_0 : i32, i32
  }
  func.func @transform_5(%arg0: i32) -> (i32, i32) {
    %c0_i32 = arith.constant 0 : i32
    %c0_i32_0 = arith.constant 0 : i32
    %c0_i32_1 = arith.constant 0 : i32
    return %c0_i32, %c0_i32_0 : i32, i32
  }
  func.func @transform_6(%arg0: i32) -> (i32, i32) {
    %c0_i32 = arith.constant 0 : i32
    %c0_i32_0 = arith.constant 0 : i32
    %c0_i32_1 = arith.constant 0 : i32
    return %c0_i32, %c0_i32_0 : i32, i32
  }
  func.func @transform_7(%arg0: i32) -> (i32, i32) {
    %c0_i32 = arith.constant 0 : i32
    %c0_i32_0 = arith.constant 0 : i32
    %c0_i32_1 = arith.constant 0 : i32
    return %c0_i32, %c0_i32_0 : i32, i32
  }
  func.func @transform_8(%arg0: i32) -> (i32, i32) {
    %c0_i32 = arith.constant 0 : i32
    %c0_i32_0 = arith.constant 0 : i32
    %c0_i32_1 = arith.constant 0 : i32
    return %c0_i32, %c0_i32_0 : i32, i32
  }
  func.func @transform_9(%arg0: i32) -> (i32, i32) {
    %c0_i32 = arith.constant 0 : i32
    %c0_i32_0 = arith.constant 0 : i32
    %c0_i32_1 = arith.constant 0 : i32
    return %c0_i32, %c0_i32_0 : i32, i32
  }
  func.func @transform_10(%arg0: i32) -> (i32, i32) {
    %c0_i32 = arith.constant 0 : i32
    %c0_i32_0 = arith.constant 0 : i32
    return %arg0, %c0_i32 : i32, i32
  }
}

</mosaic_0001>

<sc_bundles>
// kernel: kernel.4.cloned.1.call-start
scs
__scs_entry_jumppad:
0x0: {  	(pc) =	sbr.rel $0x88, $3  }
0x1: {  	(tag) =	ssettag $0x0;
	lr =	simm.s32 $0x1  }
0x2: {  	[smem:$0x3F94] =	sst lr;
	_ =	strace $0xD0000000  }
0x3: {  	_ = 	snop  }
0x4: {  	_ = 	snop  }
0x5: {  	_ = 	snop  }
0x6: {  	_ = 	snop  }
0x7: {  	_ = 	snop  }
__scs_overlays_trampoline_lowered:
0x8: {  	[smem:$0x3FA3] =	sst s0  }
0x9: {  	[smem:$0x3FA4] =	sst s1  }
0xa: {  	[smem:$0x3FA5] =	sst s2  }
0xb: {  	[smem:$0x3FA6] =	sst s3  }
0xc: {  	[smem:$0x3FA7] =	sst s4  }
0xd: {  	[smem:$0x3FA8] =	sst s5  }
0xe: {  	[smem:$0x3FA9] =	sst s6  }
0xf: {  	[smem:$0x3FAA] =	sst s7  }
0x10: {  	[smem:$0x3FAB] =	sst s8  }
0x11: {  	[smem:$0x3FAC] =	sst s9;
	s0 =	simm.s32 @!p0 $0x0  }
0x12: {  	s1 =	sld [smem:$0x3F92];
	s0 =	simm.s32 @p0 $0x1  }
0x13: {  	[smem:$0x3FAD] =	sst s0;
	s0 =	simm.s32 @!p1 $0x0  }
0x14: {  	s2 =	sld [smem:$0x3F91];
	s0 =	simm.s32 @p1 $0x1  }
0x15: {  	[smem:$0x3FAE] =	sst s0;
	s0 =	simm.s32 @!p2 $0x0  }
0x16: {  	s3 =	sld [smem:$0x3FDB];
	s0 =	simm.s32 @p2 $0x1  }
0x17: {  	s4 =	simm.s32 $0x1BF5;
	[smem:$0x3FB0] =	sst s0  }
0x18: {  	s0 =	sld [smem:$0x3F93];
	_ =	swait.ge [sflag:s4], $0x0  }
0x19: {  	s7 =	sld [smem:$0x3F94]  }
0x1a: {  	s8 =	sadd.s32 $0xFFFFE003, lr  }
0x1b: {  	s9 =	sadd.s32 $0xFFFFFEF7, lr;
	s5 =	simm.s32 $0xFFFFFFFF;
	p2 =	slt.u32 s8, $0xFFFFF086  }
0x1c: {  	p1 =	slt.u32 s9, $0xF7A;
	s5 =	simm.s32 @!p2 $0x0  }
0x1d: {  	s5 =	simm.s32 @p1 $0x1;
	p0 =	seq.s32 s7, s2  }
0x1e: {  	s7 =	smul.u32 @!p0 $0xF7A, s2;
	p2 =	seq.s32 @!p0 s5, $0x0  }
0x1f: {  	s9 =	smul.u32 $0xF7A, s1;
	s8 =	simm.s32 @!p0 $0x1BF5;
	p2 =	por !p2, p0  }
0x20: {  	[sflag:s8] =	ssyncset.s32 @!p0 $0xFFFFF086;
	s6 =	sadd.s32 @!p0 s3, s7;
	s7 =	simm.s32 @!p0 $0x108  }
0x21: {  	s3 =	sadd.s32 s3, s9;
	s6 =	sadd.s32 @!p0 $0x88, s6;
	s7 =	simm.s32 @p2 $0x1082  }
0x22: {  	[simem:s7], [sflag:s8] =	dma.local @!p0 [hbm:s6], $0xF7A  }
0x23: {  	s9 =	sor.u32 $0xD0000000, s2;
	s6 =	simm.s32 $0x108;
	_ =	swait.ge @!p0 [sflag:s8], $0x0  }
0x24: {  	s3 =	sadd.s32 $0x88, s3;
	s6 =	simm.s32 @!p1 $0x1082;
	[sflag:s4] =	ssyncset.s32 $0xFFFFF086  }
0x25: {  	[simem:s6], [sflag:s4] =	dma.local [hbm:s3], $0xF7A  }
0x26: {  	[smem:$0x3F94] =	sst s1;
	(tag) =	ssettag s2;
	_ =	strace s9  }
0x27: {  	s1 =	sld [smem:$0x3FA4]  }
0x28: {  	s2 =	sld [smem:$0x3FA5]  }
0x29: {  	s4 =	sld [smem:$0x3FA7]  }
0x2a: {  	p0 =	seq.s32 s5, $0x0;
	s5 =	sld [smem:$0x3FA8]  }
0x2b: {  	s6 =	sld [smem:$0x3FA9]  }
0x2c: {  	s7 =	sld [smem:$0x3FAA]  }
0x2d: {  	s3 =	simm.s32 $0x108;
	s8 =	sld [smem:$0x3FAB]  }
0x2e: {  	s3 =	simm.s32 @!p0 $0x1082;
	s9 =	sld [smem:$0x3FAC]  }
0x2f: {  	lr =	sadd.s32 s0, s3;
	s0 =	sld [smem:$0x3FA3]  }
0x30: {  	s3 =	sld [smem:$0x3FA6]  }
0x31: {  	[smem:$0x3FAF] =	sst s10  }
0x32: {  	s10 =	sld [smem:$0x3FAD];
	_ =	sdelay $0x3  }
0x33: {  	p0 =	seq.s32 s10, $0x1;
	s10 =	sld [smem:$0x3FAF];
	_ =	sdelay $0x3  }
0x34: {  	[smem:$0x3FAF] =	sst s10  }
0x35: {  	s10 =	sld [smem:$0x3FAE];
	_ =	sdelay $0x3  }
0x36: {  	p1 =	seq.s32 s10, $0x1;
	s10 =	sld [smem:$0x3FAF];
	_ =	sdelay $0x3  }
0x37: {  	[smem:$0x3FAF] =	sst s10  }
0x38: {  	s10 =	sld [smem:$0x3FB0]  }
0x39: {  	_ = 	snop;
	(pc) =	sbr.ind lr, $3  }
0x3a: {  	_ = 	snop  }
0x3b: {  	_ = 	snop  }
0x3c: {  	p2 =	seq.s32 s10, $0x1;
	s10 =	sld [smem:$0x3FAF]  }
0x3d: {  	_ =	shalt  }
0x3e: {  	_ =	shalt  }
0x3f: {  	_ =	shalt  }
0x40: {  	_ =	shalt  }
0x41: {  	_ =	shalt  }
0x42: {  	_ =	shalt  }
0x43: {  	_ =	shalt  }
0x44: {  	_ =	shalt  }
0x45: {  	_ =	shalt  }
0x46: {  	_ =	shalt  }
0x47: {  	_ =	shalt  }
0x48: {  	_ =	shalt  }
0x49: {  	_ =	shalt  }
0x4a: {  	_ =	shalt  }
0x4b: {  	_ =	shalt  }
0x4c: {  	_ =	shalt  }
0x4d: {  	_ =	shalt  }
0x4e: {  	_ =	shalt  }
0x4f: {  	_ =	shalt  }
0x50: {  	_ =	shalt  }
0x51: {  	_ =	shalt  }
0x52: {  	_ =	shalt  }
0x53: {  	_ =	shalt  }
0x54: {  	_ =	shalt  }
0x55: {  	_ =	shalt  }
0x56: {  	_ =	shalt  }
0x57: {  	_ =	shalt  }
0x58: {  	_ =	shalt  }
0x59: {  	_ =	shalt  }
0x5a: {  	_ =	shalt  }
0x5b: {  	_ =	shalt  }
0x5c: {  	_ =	shalt  }
0x5d: {  	_ =	shalt  }
0x5e: {  	_ =	shalt  }
0x5f: {  	_ =	shalt  }
0x60: {  	_ =	shalt  }
0x61: {  	_ =	shalt  }
0x62: {  	_ =	shalt  }
0x63: {  	_ =	shalt  }
0x64: {  	_ =	shalt  }
0x65: {  	_ =	shalt  }
0x66: {  	_ =	shalt  }
0x67: {  	_ =	shalt  }
0x68: {  	_ =	shalt  }
0x69: {  	_ =	shalt  }
0x6a: {  	_ =	shalt  }
0x6b: {  	_ =	shalt  }
0x6c: {  	_ =	shalt  }
0x6d: {  	_ =	shalt  }
0x6e: {  	_ =	shalt  }
0x6f: {  	_ =	shalt  }
0x70: {  	_ =	shalt  }
0x71: {  	_ =	shalt  }
0x72: {  	_ =	shalt  }
0x73: {  	_ =	shalt  }
0x74: {  	_ =	shalt  }
0x75: {  	_ =	shalt  }
0x76: {  	_ =	shalt  }
0x77: {  	_ =	shalt  }
0x78: {  	_ =	shalt  }
0x79: {  	_ =	shalt  }
0x7a: {  	_ =	shalt  }
0x7b: {  	_ =	shalt  }
0x7c: {  	_ =	shalt  }
0x7d: {  	_ =	shalt  }
0x7e: {  	_ =	shalt  }
0x7f: {  	_ =	shalt  }
0x80: {  	_ =	shalt  }
0x81: {  	_ =	shalt  }
0x82: {  	_ =	shalt  }
0x83: {  	_ =	shalt  }
0x84: {  	_ =	shalt  }
0x85: {  	_ =	shalt  }
0x86: {  	_ =	shalt  }
0x87: {  	_ =	shalt  }
.Lfunc_end0:
.L_simem_size_0:
called_computation_lowered:
.L_overlay_start_0:
0x88: {  	s2 =	sld [smem:$0x3FD9]  }
0x89: {  	s3 =	sld [smem:$0x3FFE];
	_ =	sdelay $0x1  }
0x8a: {  	s1 =	srdreg.scid  }
0x8b: {  	s0 =	sand.u32 $0x1, s1  }
0x8c: {  	s17 =	sshll.u32 s0, $0xA;
	s2 =	sadd.s32 s3, s2  }
0x8d: {  	s2 =	sadd.s32 s2, s17  }
0x8e: {  	[smem:$0x3FBB] =	sst s2  }
0x8f: {  	_ = 	snop  }
0x90: {  	s2 =	sld [smem:$0x3FC7]  }
0x91: {  	s18 =	sld [smem:$0x3FD0];
	(tm) =	ssettm $0x1  }
0x92: {  	s4 =	sld [smem:$0x3FFB];
	_ =	sdelay $0x3  }
0x93: {  	_ =	strace s4  }
0x94: {  	s4 =	sld [smem:$0x3FFC];
	_ =	sdelay $0x3  }
0x95: {  	_ =	strace s4  }
0x96: {  	s4 =	sld [smem:$0x3FFD];
	_ =	sdelay $0x3  }
0x97: {  	_ =	strace s4  }
0x98: {  	_ =	strace $0x8FFFFFFF  }
0x99: {  	s19 =	sld [smem:$0x3FDB];
	_ =	sdelay $0x1  }
0x9a: {  	s5 =	simm.s32 $_scs_section_size  }
0x9b: {  	s6 =	simm.s32 $_size__tile_overlayer_lowered;
	s7 =	simm.s32 $_tile_overlayer_lowered  }
0x9c: {  	s22 =	simm.s32 $0x1BFF;
	s21 =	sshll.u32 s7, $0x1;
	s4 =	sadd.s32 s5, s19  }
0x9d: {  	s8 =	simm.s32 $0x0;
	s20 =	sshll.u32 s6, $0x1;
	s6 =	sadd.s32 s21, s4  }
0x9e: {  	[timem:s8], [sflag:s22] =	dma.local [hbm:s6], s20  }
0x9f: {  	_ =	swait.ge [sflag:s22], s20  }
0xa0: {  	s5 =	ssub.s32 $0x0, s20;
	[sflag:s22] =	ssyncset.done $0x0  }
0xa1: {  	[sflag:s22] =	ssyncadd.s32 s5;
	_ =	sdelay $0x1  }
0xa2: {  	s23 =	simm.s32 $0x1B8B  }
0xa3: {  	_ =	swait.ge [sflag:s23], $0x1  }
0xa4: {  	[sflag:s23] =	ssyncset.done $0x0  }
0xa5: {  	s25 =	simm.s32 $0x1B8E;
	s24 =	sld [smem:$0x3FFE];
	[sflag:s23] =	ssyncadd.s32 $0xFFFFFFFF  }
0xa6: {  	s26 =	simm.s32 $execute0_lowered;
	[smem:$0x3FD2] =	sst s25  }
0xa7: {  	s6 =	sshll.u32 s26, $0x1;
	_ =	strace $0x80000046;
	[dreg:$0x1] =	wrdreg $0xFFFFFFFF  }
0xa8: {  	s28 =	simm.s32 $_size_execute0_lowered;
	s4 =	sadd.s32 s4, s6;
	[dreg:$0x0] =	wrdreg $0x0  }
0xa9: {  	s6 =	sshll.u32 s28, $0x1;
	[dreg:$0x2] =	wrdreg s4  }
0xaa: {  	[dreg:$0x3] =	wrdreg s6  }
0xab: {  	[dreg:$0x4] =	wrdreg $0xC0  }
0xac: {  	_ =	task [dreg:s8], $0x5FFFF  }
0xad: {  	[dreg:$0x1] =	wrdreg $0xFFFFFFFF  }
0xae: {  	[dreg:$0x0] =	wrdreg $0x60  }
0xaf: {  	[dreg:$0x2] =	wrdreg s18  }
0xb0: {  	[dreg:$0x3] =	wrdreg s24  }
0xb1: {  	[dreg:$0x4] =	wrdreg s2  }
0xb2: {  	[dreg:$0x5] =	wrdreg $0x15BB00  }
0xb3: {  	[dreg:$0x6] =	wrdreg $0xBBB00  }
0xb4: {  	[dreg:$0x7] =	wrdreg $0x9  }
0xb5: {  	_ =	task.clear_ibuf [dreg:s8], $0x8FFFF;
	_ =	strace $0x90000046  }
0xb6: {  	s29 =	simm.s32 $0x9;
	_ =	strace $0x80000048  }
0xb7: {  	_ =	swait.ge [sflag:s29], $0x1  }
0xb8: {  	[sflag:s29] =	ssyncadd.s32 $0xFFFFFFFF  }
0xb9: {  	_ =	strace $0x90000048  }
0xba: {  	_ =	sfence  }
0xbb: {  	s30 =	sld [smem:$0x0];
	_ =	sdelay $0x2  }
0xbc: {  	s31 =	sshll.u32 s1, $0xD;
	s1 =	sshrl.u32 s1, $0x2  }
0xbd: {  	s3 =	sand.u32 $0x4000, s31;
	s1 =	sadd.s32 s1, s30  }
0xbe: {  	s0 =	sor.u32 s3, s0;
	s1 =	sshll.u32 s1, $0x11  }
0xbf: {  	s0 =	sor.u32 s1, s0  }
0xc0: {  	s0 =	sadd.s32 $0x8F2B, s0  }
0xc1: {  	[sflag:s0] =	ssyncadd.remote.s32 $0x1  }
0xc2: {  	_ =	sfence.sel $0xFFFF  }
0xc3: {  	[dreg:$0x0] =	wrdreg $0xFFFFFFFF;
	(pc) =	sbr.abs _section_cstart, $3  }
0xc4: {  	[dreg:$0x1] =	wrdreg $0xFFFFFFFF  }
0xc5: {  	_ =	task.clear_ibuf [dreg:s8], $0x2FFFF;
	_ =	strace $0x9FFFFFFF  }
0xc6: {  	(tm) =	ssettm $0x7FFFFFFF  }
0xc7: {  	_ =	shalt  }
tec
execute0_lowered:
.L_overlay_start_1:
0x0: {  	(tag) =	ssettag $0x1  }
0x1: {  	s0 =	rddreg [dreg:$0x0]  }
0x2: {  	s2 =	rddreg [dreg:$0x1]  }
0x3: {  	s1 =	rddreg [dreg:$0x2]  }
0x4: {  	s3 =	rddreg [dreg:$0x3]  }
0x5: {  	s4 =	rddreg [dreg:$0x4]  }
0x6: {  	s5 =	srdreg.scid;
	s15 =	stileid.u32  }
0x7: {  	s6 =	simm.s32 $0x0;
	s28 =	stileid.u32;
	s9 =	smul.u32 $0xA000, s15  }
0x8: {  	s5 =	sand.u32 $0x1, s5;
	[smem:$0x7FF] =	sst s6;
	s10 =	smul.u32 $0x280, s15  }
0x9: {  	s6 =	sadd.s32 $0xBA00, s2;
	s7 =	sadd.s32 $0x1C00, s2;
	s8 =	smul.u32 $0xA0000, s5  }
0xa: {  	s12 =	smul.u32 $0x28000, s15;
	_ =	strace $0x80000047;
	s11 =	ssub.s32 $0x2, s5  }
0xb: {  	s24 =	smul.u32 $0x13880, s5;
	s19 =	sshrl.u32 s10, $0x3;
	s8 =	sadd.s32 s9, s8  }
0xc: {  	s14 =	sshrl.u32 s11, $0x1;
	s12 =	sshrl.u32 s12, $0x2;
	s8 =	sshrl.u32 s8, $0x3  }
0xd: {  	s13 =	sadd.s32 s8, s2;
	s8 =	sadd.s32 s10, s3;
	s10 =	sadd.s32 s12, s4  }
0xe: {  	p0 =	sne.s32 s5, $0x0;
	s11 =	ssub.s32 s11, s14;
	s12 =	sadd.s32 $0x800, s10  }
0xf: {  	s9 =	sadd.s32 s9, s4;
	s20 =	sadd.s32 $0x1000, s10;
	[dreg:$0x6] =	wrdreg s12  }
0x10: {  	s14 =	simm.s32 $0x58A0;
	s21 =	sadd.s32 $0x1800, s10;
	[dreg:$0x7] =	wrdreg s20  }
0x11: {  	s5 =	smax.u32 s11, $0x1;
	s22 =	sadd.s32 $0x2000, s10;
	[dreg:$0x8] =	wrdreg s21  }
0x12: {  	s11 =	simm.s32 $0x2;
	s23 =	sadd.s32 $0x2800, s10;
	[dreg:$0x9] =	wrdreg s22  }
0x13: {  	s2 =	sadd.s32 s19, s2;
	s25 =	sadd.s32 $0x3000, s10;
	[dreg:$0xa] =	wrdreg s23  }
0x14: {  	s19 =	sadd.s32 s0, s24;
	s26 =	sadd.s32 $0x3800, s10;
	[dreg:$0xb] =	wrdreg s25  }
0x15: {  	s16 =	sadd.s32 $0x4000, s10;
	s17 =	sadd.s32 $0x4800, s10;
	[dreg:$0xc] =	wrdreg s26  }
0x16: {  	s18 =	sadd.s32 $0x5000, s10;
	s24 =	sadd.s32 $0x7800, s10;
	[dreg:$0xd] =	wrdreg s16  }
0x17: {  	s29 =	sadd.s32 $0x9000, s10;
	s30 =	sadd.s32 $0x9800, s10;
	[dreg:$0xe] =	wrdreg s17  }
0x18: {  	s31 =	sadd.s32 $0x3D800, s2;
	s0 =	sadd.s32 $0x15800, s13;
	[dreg:$0xf] =	wrdreg s18  }
0x19: {  	s13 =	simm.s32 $0x3190;
	s20 =	sadd.s32 $0x5800, s10;
	[dreg:$0x14] =	wrdreg s24  }
0x1a: {  	s21 =	sadd.s32 $0x6000, s10;
	s22 =	sadd.s32 $0x6800, s10;
	[dreg:$0x10] =	wrdreg s20  }
0x1b: {  	s23 =	sadd.s32 $0x7000, s10;
	s25 =	sadd.s32 $0x8000, s10;
	[dreg:$0x11] =	wrdreg s21  }
0x1c: {  	s26 =	sadd.s32 $0x8800, s10;
	s10 =	sshll.u32 s15, $0x1;
	[dreg:$0x12] =	wrdreg s22  }
0x1d: {  	s12 =	simm.s32 $0xA80;
	s15 =	simm.s32 $0x50;
	[dreg:$0x13] =	wrdreg s23  }
0x1e: {  	s16 =	simm.s32 $0x7FB0;
	s17 =	simm.s32 $0xA7B0;
	[dreg:$0x15] =	wrdreg s25  }
0x1f: {  	v0 =	vimm.f32 $0.0e+00;
	s18 =	simm.s32 $0x1;
	[dreg:$0x16] =	wrdreg s26;
	s20 =	simm.s32 $0x0  }
.LBB2_1:
0x20: {  	s2 =	simm.s32 $0x0  }
0x21: {  	s21 =	sand.u32 $0x1FC0, s2  }
0x22: {  	s2 =	simm.s32 $0x40;
	s21 =	sshrl.u32 s21, $0x2  }
.LBB2_2:
0x23: {  	p1 =	sne.s32 s2, $0x1FC0;
	[tilespmem:s21+$0x0] =	vst v0;
	s21 =	smov.u32 s2;
	s2 =	sadd.s32 $0x40, s2  }
.Ltmp0:
0x24: {  	(pc) =	sbr.rel @p1 .LBB2_2-.Ltmp0, $3  }
0x25: {  	_ =	sdelay $0x1  }
0x26: {  	s21 =	sand.u32 $0x1FC0, s21  }
0x27: {  	s21 =	sshrl.u32 s21, $0x2  }
0x28: {  	[tilespmem:s21+$0x0] =	vst v0  }
0x29: {  	[tilespmem:$0x800] =	vst v0  }
0x2a: {  	[tilespmem:$0x810] =	vst v0  }
0x2b: {  	[tilespmem:$0x820] =	vst v0  }
0x2c: {  	[tilespmem:$0x830] =	vst v0  }
0x2d: {  	[tilespmem:$0x840] =	vst v0  }
0x2e: {  	[tilespmem:$0x850] =	vst v0  }
0x2f: {  	[tilespmem:$0x860] =	vst v0  }
0x30: {  	[tilespmem:$0x870] =	vst v0  }
0x31: {  	[tilespmem:$0x880] =	vst v0  }
0x32: {  	[tilespmem:$0x890] =	vst v0  }
0x33: {  	[tilespmem:$0x8A0] =	vst v0  }
0x34: {  	[tilespmem:$0x8B0] =	vst v0  }
0x35: {  	[tilespmem:$0x8C0] =	vst v0  }
0x36: {  	[tilespmem:$0x8D0] =	vst v0  }
0x37: {  	[tilespmem:$0x8E0] =	vst v0  }
0x38: {  	[tilespmem:$0x8F0] =	vst v0  }
0x39: {  	[tilespmem:$0x900] =	vst v0  }
0x3a: {  	[tilespmem:$0x910] =	vst v0  }
0x3b: {  	[tilespmem:$0x920] =	vst v0  }
0x3c: {  	[tilespmem:$0x930] =	vst v0  }
0x3d: {  	[tilespmem:$0x940] =	vst v0  }
0x3e: {  	[tilespmem:$0x950] =	vst v0  }
0x3f: {  	[tilespmem:$0x960] =	vst v0  }
0x40: {  	[tilespmem:$0x970] =	vst v0  }
0x41: {  	[tilespmem:$0x980] =	vst v0  }
0x42: {  	[tilespmem:$0x990] =	vst v0  }
0x43: {  	[tilespmem:$0x9A0] =	vst v0  }
0x44: {  	[tilespmem:$0x9B0] =	vst v0  }
0x45: {  	[tilespmem:$0x9C0] =	vst v0  }
0x46: {  	[tilespmem:$0x9D0] =	vst v0  }
0x47: {  	[tilespmem:$0x9E0] =	vst v0  }
0x48: {  	[tilespmem:$0x9F0] =	vst v0  }
0x49: {  	[tilespmem:$0xA00] =	vst v0  }
0x4a: {  	[tilespmem:$0xA10] =	vst v0  }
0x4b: {  	[tilespmem:$0xA20] =	vst v0  }
0x4c: {  	[tilespmem:$0xA30] =	vst v0  }
0x4d: {  	[tilespmem:$0xA40] =	vst v0  }
0x4e: {  	[tilespmem:$0xA50] =	vst v0  }
0x4f: {  	[tilespmem:$0xA60] =	vst v0  }
0x50: {  	s2 =	simm.s32 $0x800;
	[tilespmem:$0xA70] =	vst v0  }
0x51: {  	[spmem:s8] =	stream.linear.scatter [tilespmem:s2], [sflag:$0x2], $0x280, $0x38;
	[tilespmem:$0x15E30] =	vst v63  }
0x52: {  	_ =	swait.ge [sflag:s11], $0x280  }
0x53: {  	[sflag:s11] =	ssyncset.done $0x0  }
0x54: {  	s2 =	simm.s32 $0x0;
	[sflag:s11] =	ssyncadd.s32 $0xFFFFFD80  }
0x55: {  	[spmem:s9] =	stream.linear.scatter [tilespmem:s2], [sflag:$0x2], $0x800, $0x38;
	[tilespmem:$0x15E30] =	vst v63  }
0x56: {  	_ =	swait.ge [sflag:s11], $0x800  }
0x57: {  	[sflag:s11] =	ssyncset.done $0x0  }
0x58: {  	s25 =	rddreg [dreg:$0x6];
	[sflag:s11] =	ssyncadd.s32 $0xFFFFF800  }
0x59: {  	[spmem:s25] =	stream.linear.scatter [tilespmem:s2], [sflag:$0x2], $0x800, $0x38;
	[tilespmem:$0x15E30] =	vst v63  }
0x5a: {  	_ =	swait.ge [sflag:s11], $0x800  }
0x5b: {  	[sflag:s11] =	ssyncset.done $0x0  }
0x5c: {  	s26 =	rddreg [dreg:$0x7];
	[sflag:s11] =	ssyncadd.s32 $0xFFFFF800  }
0x5d: {  	[spmem:s26] =	stream.linear.scatter [tilespmem:s2], [sflag:$0x2], $0x800, $0x38;
	[tilespmem:$0x15E30] =	vst v63  }
0x5e: {  	_ =	swait.ge [sflag:s11], $0x800  }
0x5f: {  	[sflag:s11] =	ssyncset.done $0x0  }
0x60: {  	s22 =	rddreg [dreg:$0x8];
	[sflag:s11] =	ssyncadd.s32 $0xFFFFF800  }
0x61: {  	[spmem:s22] =	stream.linear.scatter [tilespmem:s2], [sflag:$0x2], $0x800, $0x38;
	[tilespmem:$0x15E30] =	vst v63  }
0x62: {  	_ =	swait.ge [sflag:s11], $0x800  }
0x63: {  	[sflag:s11] =	ssyncset.done $0x0  }
0x64: {  	s23 =	rddreg [dreg:$0x9];
	[sflag:s11] =	ssyncadd.s32 $0xFFFFF800  }
0x65: {  	[spmem:s23] =	stream.linear.scatter [tilespmem:s2], [sflag:$0x2], $0x800, $0x38;
	[tilespmem:$0x15E30] =	vst v63  }
0x66: {  	_ =	swait.ge [sflag:s11], $0x800  }
0x67: {  	[sflag:s11] =	ssyncset.done $0x0  }
0x68: {  	s24 =	rddreg [dreg:$0xa];
	[sflag:s11] =	ssyncadd.s32 $0xFFFFF800  }
0x69: {  	[spmem:s24] =	stream.linear.scatter [tilespmem:s2], [sflag:$0x2], $0x800, $0x38;
	[tilespmem:$0x15E30] =	vst v63  }
0x6a: {  	_ =	swait.ge [sflag:s11], $0x800  }
0x6b: {  	[sflag:s11] =	ssyncset.done $0x0  }
0x6c: {  	s25 =	rddreg [dreg:$0xb];
	[sflag:s11] =	ssyncadd.s32 $0xFFFFF800  }
0x6d: {  	[spmem:s25] =	stream.linear.scatter [tilespmem:s2], [sflag:$0x2], $0x800, $0x38;
	[tilespmem:$0x15E30] =	vst v63  }
0x6e: {  	_ =	swait.ge [sflag:s11], $0x800  }
0x6f: {  	[sflag:s11] =	ssyncset.done $0x0  }
0x70: {  	s26 =	rddreg [dreg:$0xc];
	[sflag:s11] =	ssyncadd.s32 $0xFFFFF800  }
0x71: {  	[spmem:s26] =	stream.linear.scatter [tilespmem:s2], [sflag:$0x2], $0x800, $0x38;
	[tilespmem:$0x15E30] =	vst v63  }
0x72: {  	_ =	swait.ge [sflag:s11], $0x800  }
0x73: {  	[sflag:s11] =	ssyncset.done $0x0  }
0x74: {  	s22 =	rddreg [dreg:$0xd];
	[sflag:s11] =	ssyncadd.s32 $0xFFFFF800  }
0x75: {  	[spmem:s22] =	stream.linear.scatter [tilespmem:s2], [sflag:$0x2], $0x800, $0x38;
	[tilespmem:$0x15E30] =	vst v63  }
0x76: {  	_ =	swait.ge [sflag:s11], $0x800  }
0x77: {  	[sflag:s11] =	ssyncset.done $0x0  }
0x78: {  	s23 =	rddreg [dreg:$0xe];
	[sflag:s11] =	ssyncadd.s32 $0xFFFFF800  }
0x79: {  	[spmem:s23] =	stream.linear.scatter [tilespmem:s2], [sflag:$0x2], $0x800, $0x38;
	[tilespmem:$0x15E30] =	vst v63  }
0x7a: {  	_ =	swait.ge [sflag:s11], $0x800  }
0x7b: {  	[sflag:s11] =	ssyncset.done $0x0  }
0x7c: {  	s24 =	rddreg [dreg:$0xf];
	[sflag:s11] =	ssyncadd.s32 $0xFFFFF800  }
0x7d: {  	[spmem:s24] =	stream.linear.scatter [tilespmem:s2], [sflag:$0x2], $0x800, $0x38;
	[tilespmem:$0x15E30] =	vst v63  }
0x7e: {  	_ =	swait.ge [sflag:s11], $0x800  }
0x7f: {  	[sflag:s11] =	ssyncset.done $0x0  }
0x80: {  	s25 =	rddreg [dreg:$0x10];
	[sflag:s11] =	ssyncadd.s32 $0xFFFFF800  }
0x81: {  	[spmem:s25] =	stream.linear.scatter [tilespmem:s2], [sflag:$0x2], $0x800, $0x38;
	[tilespmem:$0x15E30] =	vst v63  }
0x82: {  	_ =	swait.ge [sflag:s11], $0x800  }
0x83: {  	[sflag:s11] =	ssyncset.done $0x0  }
0x84: {  	s26 =	rddreg [dreg:$0x11];
	[sflag:s11] =	ssyncadd.s32 $0xFFFFF800  }
0x85: {  	[spmem:s26] =	stream.linear.scatter [tilespmem:s2], [sflag:$0x2], $0x800, $0x38;
	[tilespmem:$0x15E30] =	vst v63  }
0x86: {  	_ =	swait.ge [sflag:s11], $0x800  }
0x87: {  	[sflag:s11] =	ssyncset.done $0x0  }
0x88: {  	s22 =	rddreg [dreg:$0x12];
	[sflag:s11] =	ssyncadd.s32 $0xFFFFF800  }
0x89: {  	[spmem:s22] =	stream.linear.scatter [tilespmem:s2], [sflag:$0x2], $0x800, $0x38;
	[tilespmem:$0x15E30] =	vst v63  }
0x8a: {  	_ =	swait.ge [sflag:s11], $0x800  }
0x8b: {  	[sflag:s11] =	ssyncset.done $0x0  }
0x8c: {  	s23 =	rddreg [dreg:$0x13];
	[sflag:s11] =	ssyncadd.s32 $0xFFFFF800  }
0x8d: {  	[spmem:s23] =	stream.linear.scatter [tilespmem:s2], [sflag:$0x2], $0x800, $0x38;
	[tilespmem:$0x15E30] =	vst v63  }
0x8e: {  	_ =	swait.ge [sflag:s11], $0x800  }
0x8f: {  	[sflag:s11] =	ssyncset.done $0x0  }
0x90: {  	s24 =	rddreg [dreg:$0x14];
	[sflag:s11] =	ssyncadd.s32 $0xFFFFF800  }
0x91: {  	[spmem:s24] =	stream.linear.scatter [tilespmem:s2], [sflag:$0x2], $0x800, $0x38;
	[tilespmem:$0x15E30] =	vst v63  }
0x92: {  	_ =	swait.ge [sflag:s11], $0x800  }
0x93: {  	[sflag:s11] =	ssyncset.done $0x0  }
0x94: {  	s25 =	rddreg [dreg:$0x15];
	[sflag:s11] =	ssyncadd.s32 $0xFFFFF800  }
0x95: {  	[spmem:s25] =	stream.linear.scatter [tilespmem:s2], [sflag:$0x2], $0x800, $0x38;
	[tilespmem:$0x15E30] =	vst v63  }
0x96: {  	_ =	swait.ge [sflag:s11], $0x800  }
0x97: {  	[sflag:s11] =	ssyncset.done $0x0  }
0x98: {  	s26 =	rddreg [dreg:$0x16];
	[sflag:s11] =	ssyncadd.s32 $0xFFFFF800  }
0x99: {  	[spmem:s26] =	stream.linear.scatter [tilespmem:s2], [sflag:$0x2], $0x800, $0x38;
	[tilespmem:$0x15E30] =	vst v63  }
0x9a: {  	_ =	swait.ge [sflag:s11], $0x800  }
0x9b: {  	[sflag:s11] =	ssyncset.done $0x0  }
0x9c: {  	[sflag:s11] =	ssyncadd.s32 $0xFFFFF800  }
0x9d: {  	[spmem:s29] =	stream.linear.scatter [tilespmem:s2], [sflag:$0x2], $0x800, $0x38;
	[tilespmem:$0x15E30] =	vst v63  }
0x9e: {  	_ =	swait.ge [sflag:s11], $0x800  }
0x9f: {  	[sflag:s11] =	ssyncset.done $0x0  }
0xa0: {  	[sflag:s11] =	ssyncadd.s32 $0xFFFFF800  }
0xa1: {  	[spmem:s30] =	stream.linear.scatter [tilespmem:s2], [sflag:$0x2], $0x800, $0x38;
	[tilespmem:$0x15E30] =	vst v63  }
0xa2: {  	_ =	swait.ge [sflag:s11], $0x800  }
0xa3: {  	[sflag:s11] =	ssyncset.done $0x0  }
0xa4: {  	[sflag:s11] =	ssyncadd.s32 $0xFFFFF800  }
0xa5: {  	p2 =	por $0x1, $0x1;
	s21 =	simm.s32 $0x0;
	[bflag:$0x0] =	sbarrier.arrive $0xFFFF  }
.LBB2_4:
0xa6: {  	s21 =	sor.u32 s10, s21  }
0xa7: {  	s21 =	smul.u32 $0x4E2, s21;
	_ =	sdelay $0x1  }
0xa8: {  	s22 =	sadd.s32 s6, s21  }
0xa9: {  	[tilespmem:s12], [sflag:$0x2] =	stream.linear.gather [hbm4b:s22+s2], $0x2710, $0x38;
	[tilespmem:$0x15E30] =	vst v63  }
0xaa: {  	s23 =	smul.u32 $0xCCCD, s2;
	_ =	swait.ge [sflag:s11], $0x2710  }
0xab: {  	[sflag:s11] =	ssyncset.done $0x0  }
0xac: {  	s26 =	sadd.s32 s7, s21;
	s22 =	sshrl.u32 s23, $0x12;
	[sflag:s11] =	ssyncadd.s32 $0xFFFFD8F0  }
0xad: {  	[tilespmem:s13], [sflag:$0x2] =	stream.linear.gather [hbm4b:s26+s2], $0x2710, $0x38;
	[tilespmem:$0x15E30] =	vst v63  }
0xae: {  	s23 =	smul.u32 $0x5, s22;
	_ =	swait.ge [sflag:s11], $0x2710  }
0xaf: {  	s21 =	sadd.s32 s1, s21;
	[sflag:s11] =	ssyncset.done $0x0  }
0xb0: {  	s22 =	smul.u32 $0x50, s22;
	s24 =	ssub.s32 $0x0, s23;
	[sflag:s11] =	ssyncadd.s32 $0xFFFFD8F0  }
0xb1: {  	[tilespmem:s14], [sflag:$0x2] =	stream.linear.gather [hbm4b:s21+s2], $0x2710, $0x38;
	[tilespmem:$0x15E30] =	vst v63  }
0xb2: {  	s25 =	simm.s32 $0x1;
	s21 =	sshll.u32 s24, $0x4;
	_ =	swait.ge [sflag:s11], $0x2710  }
0xb3: {  	s23 =	smul.u32 $0xCCCD, s25;
	s21 =	sadd.s32 s21, s22;
	[sflag:s11] =	ssyncset.done $0x0  }
0xb4: {  	s21 =	sand.u32 $0xFFF0, s21;
	[sflag:s11] =	ssyncadd.s32 $0xFFFFD8F0  }
0xb5: {  	s26 =	sshrl.u32 s23, $0x12;
	v2 =	vld [tilespmem:s21+$0xA80]  }
0xb6: {  	s23 =	smul.u32 $0x5, s26;
	v3 =	vld [tilespmem:s21+$0x3190]  }
0xb7: {  	v1 =	vld [tilespmem:s21+$0x58A0]  }
0xb8: {  	s23 =	ssub.s32 $0x1, s23;
	s24 =	smul.u32 $0x50, s26  }
0xb9: {  	s23 =	sshll.u32 s23, $0x4;
	s22 =	simm.s32 $0x2  }
0xba: {  	s23 =	sadd.s32 s23, s24;
	s25 =	smul.u32 $0xCCCD, s22  }
0xbb: {  	p1 =	por p2, p2;
	s24 =	simm.s32 $0x3;
	s23 =	sand.u32 $0xFFF0, s23;
	vm0 =	veq.s32 v2, v3  }
.LBB2_5:
0xbc: {  	p2 =	sne.s32 s24, $0x270;
	s25 =	sshrl.u32 s25, $0x12;
	v2 =	vld [tilespmem:s23+$0xA80];
	v1 =	vsel vm0, $0x0, v1  }
0xbd: {  	s26 =	smul.u32 $0x5, s25;
	v3 =	vld [tilespmem:s23+$0x3190];
	[tilespmem:s21+$0x58A0] =	vst v1;
	s21 =	smov.u32 s23  }
.Ltmp1:
0xbe: {  	v1 =	vld [tilespmem:s21+$0x58A0];
	(pc) =	sbr.rel @p2 .LBB2_5-.Ltmp1, $4  }
0xbf: {  	s23 =	ssub.s32 s22, s26;
	s26 =	smul.u32 $0x50, s25;
	s22 =	smov.u32 s24  }
0xc0: {  	s23 =	sshll.u32 s23, $0x4  }
0xc1: {  	s25 =	smul.u32 $0xCCCD, s24;
	s23 =	sadd.s32 s23, s26  }
0xc2: {  	s24 =	sadd.s32 $0x1, s24;
	s23 =	sand.u32 $0xFFF0, s23;
	vm0 =	veq.s32 v2, v3  }
0xc3: {  	s24 =	sshrl.u32 s25, $0x12;
	v2 =	vld [tilespmem:s23+$0xA80];
	v1 =	vsel vm0, $0x0, v1  }
0xc4: {  	v3 =	vld [tilespmem:s23+$0x3190];
	s25 =	smul.u32 $0x5, s24;
	[tilespmem:s21+$0x58A0] =	vst v1  }
0xc5: {  	v1 =	vld [tilespmem:s23+$0x58A0]  }
0xc6: {  	s24 =	smul.u32 $0x50, s24;
	s22 =	ssub.s32 s22, s25  }
0xc7: {  	s21 =	sshll.u32 s22, $0x4  }
0xc8: {  	s21 =	sadd.s32 s21, s24  }
0xc9: {  	vm14 =	veq.s32 v2, v3;
	s21 =	sand.u32 $0xFFF0, s21  }
0xca: {  	v2 =	vld [tilespmem:s21+$0xA80];
	v1 =	vsel vm14, $0x0, v1  }
0xcb: {  	v3 =	vld [tilespmem:s21+$0x3190];
	[tilespmem:s23+$0x58A0] =	vst v1  }
0xcc: {  	v1 =	vld [tilespmem:s21+$0x58A0];
	_ =	sdelay $0x3  }
0xcd: {  	vm15 =	veq.s32 v2, v3  }
0xce: {  	v1 =	vsel vm15, $0x0, v1  }
0xcf: {  	s26 =	simm.s32 $0xA80;
	s25 =	simm.s32 $0x58A0;
	[tilespmem:s21+$0x58A0] =	vst v1  }
0xd0: {  	[spmem:s3] =	stream.indirect.scatter.add.f32 [tilespmem:s25], [sflag:$0x2], $0x1, s26, s15, $0xb8;
	[tilespmem:$0x15E30] =	vst v63  }
0xd1: {  	s21 =	simm.s32 $0x140;
	_ =	swait.ge [sflag:s11], $0x50  }
.LBB2_7:
0xd2: {  	s22 =	sshra.s32 s21, $0x2  }
0xd3: {  	[sflag:s11] =	ssyncset.done $0x0;
	p2 =	sne.s32 s21, $0x9B00;
	s23 =	sadd.s32 $0x58A0, s22  }
.Ltmp2:
0xd4: {  	s22 =	sadd.s32 $0xA80, s22;
	[sflag:s11] =	ssyncadd.s32 $0xFFFFFFB0;
	(pc) =	sbr.rel @p2 .LBB2_7-.Ltmp2, $3  }
0xd5: {  	[spmem:s3] =	stream.indirect.scatter.add.f32 [tilespmem:s23], [sflag:$0x2], $0x1, s22, s15, $0xb8;
	[tilespmem:$0x15E30] =	vst v63  }
0xd6: {  	s21 =	sadd.s32 $0x140, s21;
	_ =	sdelay $0x1  }
0xd7: {  	_ =	swait.ge [sflag:s11], $0x50  }
.Ltmp3:
0xd8: {  	(pc) =	sbr.rel @p1 .LBB2_4-.Ltmp3, $3  }
0xd9: {  	_ =	sdelay $0x1  }
0xda: {  	[sflag:s11] =	ssyncset.done $0x0  }
0xdb: {  	s21 =	simm.s32 $0x1;
	p2 =	por $0x0, $0x0;
	[sflag:s11] =	ssyncadd.s32 $0xFFFFFFB0  }
0xdc: {  	[bflag:$0x0] =	sbarrier.arrive $0xFFFF  }
0xdd: {  	[tilespmem:s16], [sflag:$0x2] =	stream.linear.gather [spmem:s3], $0x2800, $0x38;
	[tilespmem:$0x15E30] =	vst v63  }
0xde: {  	_ =	swait.ge [sflag:s11], $0x2800  }
0xdf: {  	s2 =	sshll.u32 @!p0 s28, $0x6;
	[sflag:s11] =	ssyncset.done $0x0  }
0xe0: {  	s21 =	sshrl.u32 @!p0 s8, $0x3;
	s2 =	sor.u32 @!p0 $0x1C02, s2;
	[sflag:s11] =	ssyncadd.s32 $0xFFFFD800  }
0xe1: {  	[hbm:s31], [sflag:s2] =	dma.local @!p0 [spmem:s21], $0x50  }
0xe2: {  	s2 =	simm.s32 @!p0 $0x2  }
0xe3: {  	_ =	swait.ge @!p0 [sflag:s2], $0x50  }
0xe4: {  	s22 =	simm.s32 $0x40;
	[sflag:s2] =	ssyncset.done @!p0 $0x0  }
0xe5: {  	s21 =	simm.s32 $0x0;
	[sflag:s2] =	ssyncadd.s32 @!p0 $0xFFFFFFB0;
	s2 =	simm.s32 $0x0  }
.LBB2_10:
0xe6: {  	p1 =	sne.s32 s22, $0x9FC0;
	v1 =	vld [tilespmem:s21+$0x7FB0];
	_ =	sdelay $0x4  }
0xe7: {  	v2 =	vshrl.u32 v1, $0x1;
	v3 =	vmul.f32 $5.000000000e-01, v1  }
0xe8: {  	v2 =	vsub.s32 $0x5F3759DF, v2  }
0xe9: {  	v4 =	vmul.f32 v2, v3;
	_ =	sdelay $0x1  }
0xea: {  	v4 =	vmul.f32 v2, v4;
	_ =	sdelay $0x1  }
0xeb: {  	v4 =	vsub.f32 $1.500000000e+00, v4;
	_ =	sdelay $0x1  }
0xec: {  	v2 =	vmul.f32 v2, v4;
	_ =	sdelay $0x1  }
0xed: {  	v4 =	vmul.f32 v2, v3;
	_ =	sdelay $0x1  }
0xee: {  	v4 =	vmul.f32 v4, v2;
	_ =	sdelay $0x1  }
0xef: {  	v4 =	vsub.f32 $1.500000000e+00, v4;
	_ =	sdelay $0x1  }
0xf0: {  	v2 =	vmul.f32 v4, v2;
	_ =	sdelay $0x1  }
0xf1: {  	v3 =	vmul.f32 v2, v3;
	_ =	sdelay $0x1  }
0xf2: {  	v3 =	vmul.f32 v3, v2;
	_ =	sdelay $0x1  }
0xf3: {  	v3 =	vsub.f32 $1.500000000e+00, v3  }
.Ltmp4:
0xf4: {  	(pc) =	sbr.rel @p1 .LBB2_10-.Ltmp4, $4  }
0xf5: {  	v2 =	vmul.f32 v3, v2  }
0xf6: {  	vm0 =	vgt.f32 v1, $0.0e+00  }
0xf7: {  	v1 =	vnsel vm0, $0x0, v2  }
0xf8: {  	[tilespmem:s21+$0x7FB0] =	vst v1;
	s21 =	sshra.s32 s22, $0x2;
	s22 =	sadd.s32 $0x40, s22  }
0xf9: {  	v1 =	vld [tilespmem:s21+$0x7FB0];
	_ =	sdelay $0x4  }
0xfa: {  	v2 =	vshrl.u32 v1, $0x1;
	v3 =	vmul.f32 $5.000000000e-01, v1  }
0xfb: {  	v2 =	vsub.s32 $0x5F3759DF, v2  }
0xfc: {  	v4 =	vmul.f32 v2, v3;
	_ =	sdelay $0x1  }
0xfd: {  	v4 =	vmul.f32 v2, v4;
	_ =	sdelay $0x1  }
0xfe: {  	v4 =	vsub.f32 $1.500000000e+00, v4;
	_ =	sdelay $0x1  }
0xff: {  	v2 =	vmul.f32 v2, v4;
	_ =	sdelay $0x1  }
0x100: {  	v4 =	vmul.f32 v2, v3;
	_ =	sdelay $0x1  }
0x101: {  	v4 =	vmul.f32 v4, v2;
	_ =	sdelay $0x1  }
0x102: {  	v4 =	vsub.f32 $1.500000000e+00, v4;
	_ =	sdelay $0x1  }
0x103: {  	v2 =	vmul.f32 v4, v2;
	_ =	sdelay $0x1  }
0x104: {  	v3 =	vmul.f32 v2, v3;
	_ =	sdelay $0x1  }
0x105: {  	v3 =	vmul.f32 v3, v2;
	_ =	sdelay $0x1  }
0x106: {  	v3 =	vsub.f32 $1.500000000e+00, v3;
	_ =	sdelay $0x1  }
0x107: {  	v2 =	vmul.f32 v3, v2  }
0x108: {  	vm0 =	vgt.f32 v1, $0.0e+00  }
0x109: {  	v1 =	vnsel vm0, $0x0, v2  }
0x10a: {  	p2 =	por $0x1, $0x1;
	[tilespmem:s21+$0x7FB0] =	vst v1  }
.LBB2_12:
0x10b: {  	s2 =	sor.u32 s10, s2  }
0x10c: {  	s21 =	smul.u32 $0x4E2, s2;
	_ =	sdelay $0x1  }
0x10d: {  	s26 =	simm.s32 $0x0;
	s22 =	sadd.s32 s6, s21  }
0x10e: {  	[tilespmem:s12], [sflag:$0x2] =	stream.linear.gather [hbm4b:s22+s26], $0x2710, $0x38;
	[tilespmem:$0x15E30] =	vst v63  }
0x10f: {  	_ =	swait.ge [sflag:s11], $0x2710  }
0x110: {  	[sflag:s11] =	ssyncset.done $0x0  }
0x111: {  	s2 =	smul.u32 $0xCCCD, s26;
	s23 =	sadd.s32 s7, s21;
	[sflag:s11] =	ssyncadd.s32 $0xFFFFD8F0  }
0x112: {  	[tilespmem:s13], [sflag:$0x2] =	stream.linear.gather [hbm4b:s23+s26], $0x2710, $0x38;
	[tilespmem:$0x15E30] =	vst v63  }
0x113: {  	_ =	swait.ge [sflag:s11], $0x2710  }
0x114: {  	s2 =	sshrl.u32 s2, $0x12;
	[sflag:s11] =	ssyncset.done $0x0  }
0x115: {  	s21 =	sadd.s32 s1, s21;
	s24 =	smul.u32 $0x5, s2;
	[sflag:s11] =	ssyncadd.s32 $0xFFFFD8F0  }
0x116: {  	[tilespmem:s14], [sflag:$0x2] =	stream.linear.gather [hbm4b:s21+s26], $0x2710, $0x38;
	[tilespmem:$0x15E30] =	vst v63  }
0x117: {  	s2 =	smul.u32 $0x50, s2;
	s21 =	ssub.s32 $0x0, s24  }
0x118: {  	s25 =	simm.s32 $0x1;
	_ =	swait.ge [sflag:s11], $0x2710;
	s21 =	sshll.u32 s21, $0x4  }
0x119: {  	[sflag:s11] =	ssyncset.done $0x0;
	s2 =	sadd.s32 s21, s2;
	s21 =	smul.u32 $0xCCCD, s25  }
0x11a: {  	[sflag:s11] =	ssyncadd.s32 $0xFFFFD8F0;
	s2 =	sand.u32 $0xFFF0, s2  }
0x11b: {  	v2 =	vld [tilespmem:s2+$0xA80];
	s21 =	sshrl.u32 s21, $0x12  }
0x11c: {  	s26 =	smul.u32 $0x5, s21;
	_ =	sdelay $0x1  }
0x11d: {  	s21 =	smul.u32 $0x50, s21;
	s22 =	ssub.s32 $0x1, s26  }
0x11e: {  	s22 =	sshll.u32 s22, $0x4  }
0x11f: {  	v4 =	vld [tilespmem:s2+$0x3190];
	s21 =	sadd.s32 s22, s21  }
0x120: {  	v5 =	vld [tilespmem:s2+$0x58A0];
	s21 =	sand.u32 $0xFFF0, s21  }
0x121: {  	v1 =	vld [tilespmem:s21+$0xA80]  }
0x122: {  	s22 =	simm.s32 $0x2;
	v3 =	vld.idx.msk [tilespmem:v2+s16+$0x0], $0xffff  }
0x123: {  	s24 =	smul.u32 $0xCCCD, s22  }
0x124: {  	p1 =	por p2, p2;
	s23 =	simm.s32 $0x3  }
.LBB2_13:
0x125: {  	p2 =	seq.s32 s23, $0x270;
	s24 =	sshrl.u32 s24, $0x12;
	vm0 =	veq.s32 v2, v4  }
0x126: {  	s25 =	smul.u32 $0x5, s24;
	v4 =	vsel vm0, $0x0, v5  }
0x127: {  	v3 =	vmul.f32 v3, v4;
	v2 =	vmov v1  }
0x128: {  	s24 =	smul.u32 $0x50, s24;
	s25 =	ssub.s32 s22, s25;
	s22 =	smov.u32 s23  }
0x129: {  	s25 =	sshll.u32 s25, $0x4;
	v4 =	vld [tilespmem:s21+$0x3190];
	[tilespmem:s2+$0x58A0] =	vst v3;
	s2 =	smov.u32 s21  }
.Ltmp5:
0x12a: {  	s21 =	sadd.s32 s25, s24;
	v3 =	vld.idx.msk [tilespmem:v1+s16+$0x0], $0xffff;
	(pc) =	sbr.rel @!p2 .LBB2_13-.Ltmp5, $4  }
0x12b: {  	s21 =	sand.u32 $0xFFF0, s21;
	v5 =	vld [tilespmem:s2+$0x58A0]  }
0x12c: {  	v1 =	vld [tilespmem:s21+$0xA80]  }
0x12d: {  	s24 =	smul.u32 $0xCCCD, s23  }
0x12e: {  	s23 =	sadd.s32 $0x1, s23  }
0x12f: {  	s23 =	sshrl.u32 s24, $0x12;
	vm0 =	veq.s32 v2, v4  }
0x130: {  	s24 =	smul.u32 $0x5, s23;
	v2 =	vsel vm0, $0x0, v5  }
0x131: {  	v2 =	vmul.f32 v3, v2  }
0x132: {  	s23 =	smul.u32 $0x50, s23;
	s22 =	ssub.s32 s22, s24  }
0x133: {  	v3 =	vld [tilespmem:s21+$0x3190];
	s22 =	sshll.u32 s22, $0x4;
	[tilespmem:s2+$0x58A0] =	vst v2  }
0x134: {  	s26 =	sadd.s32 s22, s23;
	v2 =	vld [tilespmem:s21+$0x58A0]  }
0x135: {  	v62 =	vld.idx.msk [tilespmem:v1+s16+$0x0], $0xffff;
	s2 =	sand.u32 $0xFFF0, s26  }
0x136: {  	v63 =	vld [tilespmem:s2+$0xA80];
	_ =	sdelay $0x1  }
0x137: {  	vm14 =	veq.s32 v1, v3  }
0x138: {  	v1 =	vsel vm14, $0x0, v2  }
0x139: {  	v1 =	vmul.f32 v62, v1;
	_ =	sdelay $0x1  }
0x13a: {  	v2 =	vld [tilespmem:s2+$0x3190];
	[tilespmem:s21+$0x58A0] =	vst v1  }
0x13b: {  	v1 =	vld [tilespmem:s2+$0x58A0]  }
0x13c: {  	v3 =	vld.idx.msk [tilespmem:v63+s16+$0x0], $0xffff;
	_ =	sdelay $0x2  }
0x13d: {  	vm15 =	veq.s32 v63, v2  }
0x13e: {  	v1 =	vsel vm15, $0x0, v1  }
0x13f: {  	v1 =	vmul.f32 v3, v1;
	_ =	sdelay $0x1  }
0x140: {  	s21 =	simm.s32 $0x0;
	[tilespmem:s2+$0x58A0] =	vst v1;
	s2 =	simm.s32 $0x0  }
.LBB2_15:
0x141: {  	v1 =	vmov s21  }
0x142: {  	v1 =	vmul.u32 $0x50, v1  }
0x143: {  	s22 =	smul.u32 $0x50, s21  }
0x144: {  	v2 =	vmov s2;
	v1 =	vbroadcast v1, $0x0  }
0x145: {  	v3 =	vand.u32 $0x78, v2;
	s23 =	sadd.s32 $0xA80, s22  }
0x146: {  	v2 =	vand.u32 $0x7, v2;
	[tilespmem:s17], [sflag:$0x1] =	stream.indirect.gather [hbm4b:s19+s15], $0x40, s23, s15, $0xb8;
	v3 =	vadd.s32 v1, v3;
	[tilespmem:$0x15E30] =	vst v63  }
0x147: {  	_ =	swait.ge [sflag:s18], $0x1400;
	v2 =	vor.u32 v2, v3  }
0x148: {  	[sflag:s18] =	ssyncset.done $0x0  }
0x149: {  	s23 =	simm.s32 $0xA7D0;
	[sflag:s18] =	ssyncadd.s32 $0xFFFFEC00  }
0x14a: {  	v4 =	vld [tilespmem:s23+$0xFFFFFFF0]  }
0x14b: {  	v5 =	vld [tilespmem:s23+$0x10]  }
0x14c: {  	v7 =	vld.idx.msk [tilespmem:v2+s14+$0x0], $0xffff  }
0x14d: {  	v2 =	vld [tilespmem:s23+$0xFFFFFFE0]  }
0x14e: {  	v8 =	vld [tilespmem:s23+$0x0]  }
0x14f: {  	s24 =	simm.s32 $0x1  }
0x150: {  	v3 =	vmov s24  }
0x151: {  	v6 =	vand.u32 $0x78, v3;
	v9 =	vand.u32 $0x7, v3  }
0x152: {  	v10 =	vadd.s32 v1, v6;
	v3 =	vmul.f32 v2, v7;
	v6 =	vmul.f32 v5, v7  }
0x153: {  	s25 =	simm.s32 $0xA7D0;
	s24 =	simm.s32 $0x2;
	v2 =	vor.u32 v9, v10;
	v5 =	vmul.f32 v4, v7;
	v4 =	vmul.f32 v8, v7  }
.LBB2_16:
0x154: {  	p2 =	sne.s32 s24, $0x4F  }
0x155: {  	[tilespmem:s23+$0x10] =	vst v6;
	s25 =	sadd.s32 $0x40, s25;
	s26 =	smov.u32 s24;
	s24 =	sadd.s32 $0x1, s24  }
0x156: {  	[tilespmem:s23+$0xFFFFFFE0] =	vst v3  }
0x157: {  	v7 =	vld [tilespmem:s25+$0xFFFFFFF0];
	[tilespmem:s23+$0xFFFFFFF0] =	vst v5  }
0x158: {  	v5 =	vld [tilespmem:s25+$0x10];
	[tilespmem:s23+$0x0] =	vst v4;
	s23 =	smov.u32 s25  }
0x159: {  	v4 =	vld.idx.msk [tilespmem:v2+s14+$0x0], $0xffff  }
0x15a: {  	v2 =	vld [tilespmem:s25+$0xFFFFFFE0]  }
0x15b: {  	v8 =	vld [tilespmem:s25+$0x0]  }
.Ltmp6:
0x15c: {  	(pc) =	sbr.rel @p2 .LBB2_16-.Ltmp6, $4  }
0x15d: {  	v3 =	vmov s26  }
0x15e: {  	v6 =	vand.u32 $0x78, v3;
	v9 =	vand.u32 $0x7, v3  }
0x15f: {  	v10 =	vadd.s32 v1, v6;
	v6 =	vmul.f32 v5, v4;
	v3 =	vmul.f32 v2, v4  }
0x160: {  	v5 =	vmul.f32 v7, v4;
	v2 =	vor.u32 v9, v10;
	v4 =	vmul.f32 v8, v4  }
0x161: {  	[tilespmem:s23+$0x10] =	vst v6  }
0x162: {  	s24 =	sadd.s32 $0x40, s25;
	[tilespmem:s23+$0xFFFFFFE0] =	vst v3  }
0x163: {  	v1 =	vld [tilespmem:s24+$0xFFFFFFF0];
	[tilespmem:s23+$0xFFFFFFF0] =	vst v5  }
0x164: {  	v3 =	vld [tilespmem:s24+$0x10];
	[tilespmem:s23+$0x0] =	vst v4  }
0x165: {  	v2 =	vld.idx.msk [tilespmem:v2+s14+$0x0], $0xffff  }
0x166: {  	v4 =	vld [tilespmem:s24+$0xFFFFFFE0];
	_ =	sdelay $0x1  }
0x167: {  	v5 =	vld [tilespmem:s24+$0x0];
	_ =	sdelay $0x1  }
0x168: {  	v3 =	vmul.f32 v3, v2  }
0x169: {  	v4 =	vmul.f32 v4, v2  }
0x16a: {  	v1 =	vmul.f32 v1, v2;
	[tilespmem:s24+$0x10] =	vst v3  }
0x16b: {  	s21 =	sadd.s32 $0x1, s21;
	v2 =	vmul.f32 v5, v2;
	[tilespmem:s24+$0xFFFFFFE0] =	vst v4  }
0x16c: {  	p2 =	sne.s32 s21, $0x7D;
	[tilespmem:s24+$0xFFFFFFF0] =	vst v1  }
.Ltmp7:
0x16d: {  	s22 =	sadd.s32 $0x3190, s22;
	[tilespmem:s24+$0x0] =	vst v2;
	(pc) =	sbr.rel @p2 .LBB2_15-.Ltmp7, $4  }
0x16e: {  	[spmem:s4] =	stream.indirect.scatter.add.f32 [tilespmem:s17], [sflag:$0x2], $0x40, s22, s15, $0xb8;
	[tilespmem:$0x15E30] =	vst v63  }
0x16f: {  	_ =	swait.ge [sflag:s11], $0x1400  }
0x170: {  	[sflag:s11] =	ssyncset.done $0x0  }
0x171: {  	[sflag:s11] =	ssyncadd.s32 $0xFFFFEC00  }
.Ltmp8:
0x172: {  	(pc) =	sbr.rel @p1 .LBB2_12-.Ltmp8, $2  }
0x173: {  	_ =	sdelay $0x2  }
0x174: {  	s2 =	simm.s32 $0x1;
	p2 =	por $0x0, $0x0  }
0x175: {  	s20 =	sadd.s32 $0x1, s20  }
0x176: {  	s2 =	sshll.u32 s28, $0x6;
	[bflag:$0x0] =	sbarrier.arrive $0xFFFF;
	p1 =	sne.s32 s20, s5  }
.Ltmp9:
0x177: {  	s21 =	sshrl.u32 s9, $0x3;
	s2 =	sor.u32 $0x1C02, s2;
	(pc) =	sbr.rel @p1 .LBB2_1-.Ltmp9, $4  }
0x178: {  	[hbm:s0], [sflag:s2] =	dma.local [spmem:s21], $0x1400  }
0x179: {  	_ =	swait.ge [sflag:s11], $0x1400  }
0x17a: {  	[sflag:s11] =	ssyncset.done $0x0  }
0x17b: {  	[sflag:s11] =	ssyncadd.s32 $0xFFFFEC00  }
0x17c: {  	_ =	sfence.sel $0x180000  }
0x17d: {  	[bflag:$0x0] =	sbarrier.arrive $0xFFFF  }
0x17e: {  	_ =	strace $0x90000047  }
0x17f: {  	[bflag:$0x2] =	sbarrier.arrive $0xFFFF  }
0x180: {  	p0 =	sne.s32 s28, $0x0;
	s0 =	rddreg [dreg:$0x5]  }
0x181: {  	s0 =	sadd.s32 @!p0 $0x100000, s0  }
0x182: {  	[sflag:s0] =	ssyncadd.tile.s32 @!p0 $0x1;
	_ =	shalt  }
.Lfunc_end2:
_tile_overlayer_lowered:
.L_overlay_start_2:
0x183: {  	(tag) =	ssettag $0x2  }
0x184: {  	s0 =	rddreg [dreg:$0x0];
	s2 =	stileid.u32  }
0x185: {  	s1 =	rddreg [dreg:$0x1];
	p0 =	sne.s32 s2, $0x0  }
0x186: {  	s3 =	rddreg [dreg:$0x2];
	[bflag:$0x3] =	sbarrier.arrive $0xFFFF;
	s2 =	simm.s32 @!p0 $0x1C02  }
0x187: {  	[timem:s3], [sflag:s2] =	dma.local @!p0 [hbm:s0], s1  }
0x188: {  	s0 =	simm.s32 @!p0 $0x2  }
0x189: {  	_ =	swait.ge @!p0 [sflag:s0], s1  }
0x18a: {  	s1 =	ssub.s32 @!p0 $0x0, s1;
	[sflag:s0] =	ssyncset.done @!p0 $0x0  }
0x18b: {  	[sflag:s0] =	ssyncadd.s32 @!p0 s1  }
0x18c: {  	[bflag:$0x3] =	sbarrier.arrive $0xFFFF  }
0x18d: {  	_ =	shalt  }

</sc_bundles>
